<compile_context>
chip_gen: v7x
topology: tpu7x:2x2x1
jax: 0.10.2.dev20260603
libtpu: 0.0.44.dev20260713+nightly
codegen_flags: <defaults>
</compile_context>

<pallas_src>
import functools

import jax
import jax.numpy as jnp
from jax import lax
from jax.experimental import pallas as pl
from jax.experimental.pallas import tpu as pltpu
from jax.experimental.pallas import tpu_sc as plsc

V_MIN = -10.0
V_MAX = 10.0
NUM_ATOMS = 51
ATOM_DELTA = (V_MAX - V_MIN) / (NUM_ATOMS - 1)
INV_DELTA = 1.0 / ATOM_DELTA
BS = 16384
TOP_BIN = NUM_ATOMS - 1

NUM_CORES = 2
NUM_SUBCORES = 16
NUM_WORKERS = NUM_CORES * NUM_SUBCORES
COLS_PER_W = BS // NUM_WORKERS
GROUPS = COLS_PER_W // 16


def _sc_project(rw_hbm, probs_t_hbm, out_t_hbm, rws_v, probs_v, out_v, sem):
    wid = lax.axis_index("s") * NUM_CORES + lax.axis_index("c")
    base = wid * COLS_PER_W
    rw_cp = pltpu.async_copy(rw_hbm.at[pl.ds(base, COLS_PER_W)], rws_v, sem)
    p_cp = pltpu.async_copy(
        probs_t_hbm.at[:, pl.ds(base, COLS_PER_W)], probs_v, sem)

    zeros16 = jnp.zeros((16,), jnp.float32)
    lane = lax.iota(jnp.int32, 16)

    @plsc.parallel_loop(0, NUM_ATOMS, step=1, unroll=2)
    def zero_body(j):
        for g in range(GROUPS):
            out_v[j, pl.ds(g * 16, 16)] = zeros16

    rw_cp.wait()
    p_cp.wait()

    @plsc.parallel_loop(0, GROUPS, step=1, unroll=2)
    def group_body(g):
        col0 = g * 16
        cvec = lane + col0
        s16 = jnp.clip(rws_v[pl.ds(col0, 16)] * jnp.float32(INV_DELTA),
                       -52.0, 52.0)
        t = s16.astype(jnp.int32)
        m16 = t - (t.astype(jnp.float32) > s16).astype(jnp.int32)
        f16 = s16 - m16.astype(jnp.float32)
        omf = 1.0 - f16
        p_prev = probs_v[0, pl.ds(col0, 16)]
        plsc.addupdate_scatter(
            out_v, [jnp.clip(m16, 0, TOP_BIN), cvec], omf * p_prev)
        for k in range(1, NUM_ATOMS):
            t = jnp.clip(m16 + k, 0, TOP_BIN)
            p = probs_v[k, pl.ds(col0, 16)]
            plsc.addupdate_scatter(out_v, [t, cvec], f16 * p_prev + omf * p)
            p_prev = p
        plsc.addupdate_scatter(
            out_v, [jnp.clip(m16 + NUM_ATOMS, 0, TOP_BIN), cvec],
            f16 * p_prev)

    pltpu.sync_copy(out_v, out_t_hbm.at[:, pl.ds(base, COLS_PER_W)])


@functools.partial(
    pl.kernel,
    out_type=jax.ShapeDtypeStruct((NUM_ATOMS, BS), jnp.float32),
    mesh=plsc.VectorSubcoreMesh(core_axis_name="c", subcore_axis_name="s"),
    compiler_params=pltpu.CompilerParams(
        needs_layout_passes=False, use_tc_tiling_on_sc=True),
    scratch_types=[
        pltpu.VMEM((COLS_PER_W,), jnp.float32),
        pltpu.VMEM((NUM_ATOMS, COLS_PER_W), jnp.float32),
        pltpu.VMEM((NUM_ATOMS, COLS_PER_W), jnp.float32),
        pltpu.SemaphoreType.DMA,
    ],
)
def _projection_kernel(rw_hbm, probs_t_hbm, out_t_hbm,
                       rws_v, probs_v, out_v, sem):
    _sc_project(rw_hbm, probs_t_hbm, out_t_hbm, rws_v, probs_v, out_v, sem)


def kernel(reward, probs):
    return _projection_kernel(reward, probs.T).T

# --- scband reference (transcript-rebuilt; emitter-appended) ---
"""Pipeline reference for scband-bellman-op-42563125903609 (READ-ONLY COPY).

The authoritative reference and input builder live on the scoring server;
editing this copy changes nothing except your own understanding.
"""

import jax, jax.numpy as jnp
import numpy as np

V_MIN = -10.0
V_MAX = 10.0
NUM_ATOMS = 51
ATOM_DELTA = (V_MAX - V_MIN) / (NUM_ATOMS - 1)
BS = 16384


def setup_inputs(seed: int = 0) -> dict:
    key = jax.random.key(seed)
    k1, k2 = jax.random.split(key)
    reward = jax.random.normal(k1, (BS,), dtype=jnp.float32)
    probs = jax.random.uniform(k2, (BS, NUM_ATOMS), dtype=jnp.float32)
    return {"reward": reward, "probs": probs}


def reference(reward, probs):
    bs = probs.shape[0]
    atom_values = jnp.array([V_MIN + ATOM_DELTA * i for i in range(NUM_ATOMS)], dtype=jnp.float32)
    # broadcast atoms + reward
    new_atom_values = atom_values[None, :] + reward[:, None]
    new_atom_values = jnp.clip(new_atom_values, V_MIN, V_MAX)
    new_atom_indices = (new_atom_values - V_MIN) / ATOM_DELTA
    lower_index = jnp.floor(new_atom_indices)
    upper_index = jnp.ceil(new_atom_indices)
    lower_coef = upper_index - new_atom_indices
    upper_coef = new_atom_indices - lower_index
    li = lower_index.astype(jnp.int32)
    ui = upper_index.astype(jnp.int32)
    b_idx = jnp.broadcast_to(jnp.arange(bs)[:, None], (bs, NUM_ATOMS))
    j_idx = jnp.broadcast_to(jnp.arange(NUM_ATOMS)[None, :], (bs, NUM_ATOMS))
    # build projection matrix via scatter-set, matching torch overwrite order:
    # set lower entries, then upper entries; when l == u the torch code forces 1.0
    P = jnp.zeros((bs, NUM_ATOMS, NUM_ATOMS), dtype=jnp.float32)
    P = P.at[b_idx, li, j_idx].set(lower_coef)
    eq = (li == ui)
    P = P.at[b_idx, ui, j_idx].set(jnp.where(eq, jnp.float32(1.0), upper_coef))
    new_probs = jnp.matmul(P, probs[..., None])[..., 0]
    return new_probs

if __name__ == "__main__":
    import jax
    _d = setup_inputs()
    print(jax.jit(kernel)(*tuple(_d.values())))

</pallas_src>

<mosaic_0001>
#map = affine_map<(d0, d1) -> (0)>
#map1 = affine_map<(d0, d1) -> (0, 0)>
module attributes {stable_mosaic.version = 14 : i64} {
  func.func @_projection_kernel(%arg0: i32, %arg1: i32, %arg2: memref<16384xf32, #tpu.memory_space<hbm>>, %arg3: memref<51x16384xf32, #tpu.memory_space<hbm>>, %arg4: memref<51x16384xf32, #tpu.memory_space<hbm>>, %arg5: memref<512xf32, #tpu.memory_space<vmem>>, %arg6: memref<51x512xf32, #tpu.memory_space<vmem>>, %arg7: memref<51x512xf32, #tpu.memory_space<vmem>>, %arg8: memref<!tpu.dma_semaphore, #tpu.memory_space<semaphore_mem>>) attributes {dimension_semantics = [#tpu.dimension_semantics<core_parallel>, #tpu.dimension_semantics<subcore_parallel>], iteration_bounds = array<i64: 2, 16>, scalar_prefetch = 0 : i64, scratch_operands = 4 : i64, tpu.core_type = #tpu.core_type<sc_vector_subcore>, window_params = [{transform_indices = #map}, {transform_indices = #map1}, {transform_indices = #map1}]} {
    %mul3A = arith.constant 2 : i32
    %mul3A_0 = arith.muli %arg1, %mul3A : i32
    %add3A = arith.addi %mul3A_0, %arg0 : i32
    %mul3A_1 = arith.constant 512 : i32
    %mul3A_2 = arith.muli %add3A, %mul3A_1 : i32
    %dma_start3A = tpu.memref_slice %arg2[%mul3A_2] : memref<16384xf32, #tpu.memory_space<hbm>> -> memref<512xf32, #tpu.memory_space<hbm>>
    %dma_start3A_3 = tpu.memref_slice %arg2[%mul3A_2] : memref<16384xf32, #tpu.memory_space<hbm>> -> memref<512xf32, #tpu.memory_space<hbm>>
    tpu.enqueue_dma source(%dma_start3A_3 : memref<512xf32, #tpu.memory_space<hbm>>) target(%arg5 : memref<512xf32, #tpu.memory_space<vmem>>) target_semaphore(%arg8 : memref<!tpu.dma_semaphore, #tpu.memory_space<semaphore_mem>>)
    %dma_start3A_4 = arith.constant 0 : i32
    %dma_start3A_5 = tpu.memref_slice %arg3[%dma_start3A_4, %mul3A_2] : memref<51x16384xf32, #tpu.memory_space<hbm>> -> memref<51x512xf32, #tpu.memory_space<hbm>>
    %dma_start3A_6 = arith.constant 0 : i32
    %dma_start3A_7 = tpu.memref_slice %arg3[%dma_start3A_6, %mul3A_2] : memref<51x16384xf32, #tpu.memory_space<hbm>> -> memref<51x512xf32, #tpu.memory_space<hbm>>
    tpu.enqueue_dma source(%dma_start3A_7 : memref<51x512xf32, #tpu.memory_space<hbm>>) target(%arg6 : memref<51x512xf32, #tpu.memory_space<vmem>>) target_semaphore(%arg8 : memref<!tpu.dma_semaphore, #tpu.memory_space<semaphore_mem>>)
    %broadcast_in_dim3A = arith.constant 0.000000e+00 : f32
    %broadcast_in_dim3A_8 = vector.broadcast %broadcast_in_dim3A : f32 to vector<16xf32>
    %iota3A = tpu.iota {dimensions = array<i32: 0>} : vector<16xi32>
    %parallel_loop3A = arith.constant 0 : i32
    %parallel_loop3A_9 = arith.constant 51 : i32
    %parallel_loop3A_10 = arith.constant 1 : i32
    scf.for %parallel_loop3A_19 = %parallel_loop3A to %parallel_loop3A_9 step %parallel_loop3A_10  : i32 {
      %parallel_loop3A_20 = arith.index_cast %parallel_loop3A_19 : i32 to index
      %parallel_loop3A_21 = arith.constant 0 : index
      %parallel_loop3A_22 = tpu.vector_load %arg7[%parallel_loop3A_20, %parallel_loop3A_21] {strides = array<i32>} : memref<51x512xf32, #tpu.memory_space<vmem>>, vector<16xf32>,
      tpu.vector_store %arg7[%parallel_loop3A_20, %parallel_loop3A_21], %broadcast_in_dim3A_8 {strides = array<i32>} : memref<51x512xf32, #tpu.memory_space<vmem>>, vector<16xf32>,
      %parallel_loop3A_23 = arith.index_cast %parallel_loop3A_19 : i32 to index
      %parallel_loop3A_24 = arith.constant 16 : index
      %parallel_loop3A_25 = tpu.vector_load %arg7[%parallel_loop3A_23, %parallel_loop3A_24] {strides = array<i32>} : memref<51x512xf32, #tpu.memory_space<vmem>>, vector<16xf32>,
      tpu.vector_store %arg7[%parallel_loop3A_23, %parallel_loop3A_24], %broadcast_in_dim3A_8 {strides = array<i32>} : memref<51x512xf32, #tpu.memory_space<vmem>>, vector<16xf32>,
      %parallel_loop3A_26 = arith.index_cast %parallel_loop3A_19 : i32 to index
      %parallel_loop3A_27 = arith.constant 32 : index
      %parallel_loop3A_28 = tpu.vector_load %arg7[%parallel_loop3A_26, %parallel_loop3A_27] {strides = array<i32>} : memref<51x512xf32, #tpu.memory_space<vmem>>, vector<16xf32>,
      tpu.vector_store %arg7[%parallel_loop3A_26, %parallel_loop3A_27], %broadcast_in_dim3A_8 {strides = array<i32>} : memref<51x512xf32, #tpu.memory_space<vmem>>, vector<16xf32>,
      %parallel_loop3A_29 = arith.index_cast %parallel_loop3A_19 : i32 to index
      %parallel_loop3A_30 = arith.constant 48 : index
      %parallel_loop3A_31 = tpu.vector_load %arg7[%parallel_loop3A_29, %parallel_loop3A_30] {strides = array<i32>} : memref<51x512xf32, #tpu.memory_space<vmem>>, vector<16xf32>,
      tpu.vector_store %arg7[%parallel_loop3A_29, %parallel_loop3A_30], %broadcast_in_dim3A_8 {strides = array<i32>} : memref<51x512xf32, #tpu.memory_space<vmem>>, vector<16xf32>,
      %parallel_loop3A_32 = arith.index_cast %parallel_loop3A_19 : i32 to index
      %parallel_loop3A_33 = arith.constant 64 : index
      %parallel_loop3A_34 = tpu.vector_load %arg7[%parallel_loop3A_32, %parallel_loop3A_33] {strides = array<i32>} : memref<51x512xf32, #tpu.memory_space<vmem>>, vector<16xf32>,
      tpu.vector_store %arg7[%parallel_loop3A_32, %parallel_loop3A_33], %broadcast_in_dim3A_8 {strides = array<i32>} : memref<51x512xf32, #tpu.memory_space<vmem>>, vector<16xf32>,
      %parallel_loop3A_35 = arith.index_cast %parallel_loop3A_19 : i32 to index
      %parallel_loop3A_36 = arith.constant 80 : index
      %parallel_loop3A_37 = tpu.vector_load %arg7[%parallel_loop3A_35, %parallel_loop3A_36] {strides = array<i32>} : memref<51x512xf32, #tpu.memory_space<vmem>>, vector<16xf32>,
      tpu.vector_store %arg7[%parallel_loop3A_35, %parallel_loop3A_36], %broadcast_in_dim3A_8 {strides = array<i32>} : memref<51x512xf32, #tpu.memory_space<vmem>>, vector<16xf32>,
      %parallel_loop3A_38 = arith.index_cast %parallel_loop3A_19 : i32 to index
      %parallel_loop3A_39 = arith.constant 96 : index
      %parallel_loop3A_40 = tpu.vector_load %arg7[%parallel_loop3A_38, %parallel_loop3A_39] {strides = array<i32>} : memref<51x512xf32, #tpu.memory_space<vmem>>, vector<16xf32>,
      tpu.vector_store %arg7[%parallel_loop3A_38, %parallel_loop3A_39], %broadcast_in_dim3A_8 {strides = array<i32>} : memref<51x512xf32, #tpu.memory_space<vmem>>, vector<16xf32>,
      %parallel_loop3A_41 = arith.index_cast %parallel_loop3A_19 : i32 to index
      %parallel_loop3A_42 = arith.constant 112 : index
      %parallel_loop3A_43 = tpu.vector_load %arg7[%parallel_loop3A_41, %parallel_loop3A_42] {strides = array<i32>} : memref<51x512xf32, #tpu.memory_space<vmem>>, vector<16xf32>,
      tpu.vector_store %arg7[%parallel_loop3A_41, %parallel_loop3A_42], %broadcast_in_dim3A_8 {strides = array<i32>} : memref<51x512xf32, #tpu.memory_space<vmem>>, vector<16xf32>,
      %parallel_loop3A_44 = arith.index_cast %parallel_loop3A_19 : i32 to index
      %parallel_loop3A_45 = arith.constant 128 : index
      %parallel_loop3A_46 = tpu.vector_load %arg7[%parallel_loop3A_44, %parallel_loop3A_45] {strides = array<i32>} : memref<51x512xf32, #tpu.memory_space<vmem>>, vector<16xf32>,
      tpu.vector_store %arg7[%parallel_loop3A_44, %parallel_loop3A_45], %broadcast_in_dim3A_8 {strides = array<i32>} : memref<51x512xf32, #tpu.memory_space<vmem>>, vector<16xf32>,
      %parallel_loop3A_47 = arith.index_cast %parallel_loop3A_19 : i32 to index
      %parallel_loop3A_48 = arith.constant 144 : index
      %parallel_loop3A_49 = tpu.vector_load %arg7[%parallel_loop3A_47, %parallel_loop3A_48] {strides = array<i32>} : memref<51x512xf32, #tpu.memory_space<vmem>>, vector<16xf32>,
      tpu.vector_store %arg7[%parallel_loop3A_47, %parallel_loop3A_48], %broadcast_in_dim3A_8 {strides = array<i32>} : memref<51x512xf32, #tpu.memory_space<vmem>>, vector<16xf32>,
      %parallel_loop3A_50 = arith.index_cast %parallel_loop3A_19 : i32 to index
      %parallel_loop3A_51 = arith.constant 160 : index
      %parallel_loop3A_52 = tpu.vector_load %arg7[%parallel_loop3A_50, %parallel_loop3A_51] {strides = array<i32>} : memref<51x512xf32, #tpu.memory_space<vmem>>, vector<16xf32>,
      tpu.vector_store %arg7[%parallel_loop3A_50, %parallel_loop3A_51], %broadcast_in_dim3A_8 {strides = array<i32>} : memref<51x512xf32, #tpu.memory_space<vmem>>, vector<16xf32>,
      %parallel_loop3A_53 = arith.index_cast %parallel_loop3A_19 : i32 to index
      %parallel_loop3A_54 = arith.constant 176 : index
      %parallel_loop3A_55 = tpu.vector_load %arg7[%parallel_loop3A_53, %parallel_loop3A_54] {strides = array<i32>} : memref<51x512xf32, #tpu.memory_space<vmem>>, vector<16xf32>,
      tpu.vector_store %arg7[%parallel_loop3A_53, %parallel_loop3A_54], %broadcast_in_dim3A_8 {strides = array<i32>} : memref<51x512xf32, #tpu.memory_space<vmem>>, vector<16xf32>,
      %parallel_loop3A_56 = arith.index_cast %parallel_loop3A_19 : i32 to index
      %parallel_loop3A_57 = arith.constant 192 : index
      %parallel_loop3A_58 = tpu.vector_load %arg7[%parallel_loop3A_56, %parallel_loop3A_57] {strides = array<i32>} : memref<51x512xf32, #tpu.memory_space<vmem>>, vector<16xf32>,
      tpu.vector_store %arg7[%parallel_loop3A_56, %parallel_loop3A_57], %broadcast_in_dim3A_8 {strides = array<i32>} : memref<51x512xf32, #tpu.memory_space<vmem>>, vector<16xf32>,
      %parallel_loop3A_59 = arith.index_cast %parallel_loop3A_19 : i32 to index
      %parallel_loop3A_60 = arith.constant 208 : index
      %parallel_loop3A_61 = tpu.vector_load %arg7[%parallel_loop3A_59, %parallel_loop3A_60] {strides = array<i32>} : memref<51x512xf32, #tpu.memory_space<vmem>>, vector<16xf32>,
      tpu.vector_store %arg7[%parallel_loop3A_59, %parallel_loop3A_60], %broadcast_in_dim3A_8 {strides = array<i32>} : memref<51x512xf32, #tpu.memory_space<vmem>>, vector<16xf32>,
      %parallel_loop3A_62 = arith.index_cast %parallel_loop3A_19 : i32 to index
      %parallel_loop3A_63 = arith.constant 224 : index
      %parallel_loop3A_64 = tpu.vector_load %arg7[%parallel_loop3A_62, %parallel_loop3A_63] {strides = array<i32>} : memref<51x512xf32, #tpu.memory_space<vmem>>, vector<16xf32>,
      tpu.vector_store %arg7[%parallel_loop3A_62, %parallel_loop3A_63], %broadcast_in_dim3A_8 {strides = array<i32>} : memref<51x512xf32, #tpu.memory_space<vmem>>, vector<16xf32>,
      %parallel_loop3A_65 = arith.index_cast %parallel_loop3A_19 : i32 to index
      %parallel_loop3A_66 = arith.constant 240 : index
      %parallel_loop3A_67 = tpu.vector_load %arg7[%parallel_loop3A_65, %parallel_loop3A_66] {strides = array<i32>} : memref<51x512xf32, #tpu.memory_space<vmem>>, vector<16xf32>,
      tpu.vector_store %arg7[%parallel_loop3A_65, %parallel_loop3A_66], %broadcast_in_dim3A_8 {strides = array<i32>} : memref<51x512xf32, #tpu.memory_space<vmem>>, vector<16xf32>,
      %parallel_loop3A_68 = arith.index_cast %parallel_loop3A_19 : i32 to index
      %parallel_loop3A_69 = arith.constant 256 : index
      %parallel_loop3A_70 = tpu.vector_load %arg7[%parallel_loop3A_68, %parallel_loop3A_69] {strides = array<i32>} : memref<51x512xf32, #tpu.memory_space<vmem>>, vector<16xf32>,
      tpu.vector_store %arg7[%parallel_loop3A_68, %parallel_loop3A_69], %broadcast_in_dim3A_8 {strides = array<i32>} : memref<51x512xf32, #tpu.memory_space<vmem>>, vector<16xf32>,
      %parallel_loop3A_71 = arith.index_cast %parallel_loop3A_19 : i32 to index
      %parallel_loop3A_72 = arith.constant 272 : index
      %parallel_loop3A_73 = tpu.vector_load %arg7[%parallel_loop3A_71, %parallel_loop3A_72] {strides = array<i32>} : memref<51x512xf32, #tpu.memory_space<vmem>>, vector<16xf32>,
      tpu.vector_store %arg7[%parallel_loop3A_71, %parallel_loop3A_72], %broadcast_in_dim3A_8 {strides = array<i32>} : memref<51x512xf32, #tpu.memory_space<vmem>>, vector<16xf32>,
      %parallel_loop3A_74 = arith.index_cast %parallel_loop3A_19 : i32 to index
      %parallel_loop3A_75 = arith.constant 288 : index
      %parallel_loop3A_76 = tpu.vector_load %arg7[%parallel_loop3A_74, %parallel_loop3A_75] {strides = array<i32>} : memref<51x512xf32, #tpu.memory_space<vmem>>, vector<16xf32>,
      tpu.vector_store %arg7[%parallel_loop3A_74, %parallel_loop3A_75], %broadcast_in_dim3A_8 {strides = array<i32>} : memref<51x512xf32, #tpu.memory_space<vmem>>, vector<16xf32>,
      %parallel_loop3A_77 = arith.index_cast %parallel_loop3A_19 : i32 to index
      %parallel_loop3A_78 = arith.constant 304 : index
      %parallel_loop3A_79 = tpu.vector_load %arg7[%parallel_loop3A_77, %parallel_loop3A_78] {strides = array<i32>} : memref<51x512xf32, #tpu.memory_space<vmem>>, vector<16xf32>,
      tpu.vector_store %arg7[%parallel_loop3A_77, %parallel_loop3A_78], %broadcast_in_dim3A_8 {strides = array<i32>} : memref<51x512xf32, #tpu.memory_space<vmem>>, vector<16xf32>,
      %parallel_loop3A_80 = arith.index_cast %parallel_loop3A_19 : i32 to index
      %parallel_loop3A_81 = arith.constant 320 : index
      %parallel_loop3A_82 = tpu.vector_load %arg7[%parallel_loop3A_80, %parallel_loop3A_81] {strides = array<i32>} : memref<51x512xf32, #tpu.memory_space<vmem>>, vector<16xf32>,
      tpu.vector_store %arg7[%parallel_loop3A_80, %parallel_loop3A_81], %broadcast_in_dim3A_8 {strides = array<i32>} : memref<51x512xf32, #tpu.memory_space<vmem>>, vector<16xf32>,
      %parallel_loop3A_83 = arith.index_cast %parallel_loop3A_19 : i32 to index
      %parallel_loop3A_84 = arith.constant 336 : index
      %parallel_loop3A_85 = tpu.vector_load %arg7[%parallel_loop3A_83, %parallel_loop3A_84] {strides = array<i32>} : memref<51x512xf32, #tpu.memory_space<vmem>>, vector<16xf32>,
      tpu.vector_store %arg7[%parallel_loop3A_83, %parallel_loop3A_84], %broadcast_in_dim3A_8 {strides = array<i32>} : memref<51x512xf32, #tpu.memory_space<vmem>>, vector<16xf32>,
      %parallel_loop3A_86 = arith.index_cast %parallel_loop3A_19 : i32 to index
      %parallel_loop3A_87 = arith.constant 352 : index
      %parallel_loop3A_88 = tpu.vector_load %arg7[%parallel_loop3A_86, %parallel_loop3A_87] {strides = array<i32>} : memref<51x512xf32, #tpu.memory_space<vmem>>, vector<16xf32>,
      tpu.vector_store %arg7[%parallel_loop3A_86, %parallel_loop3A_87], %broadcast_in_dim3A_8 {strides = array<i32>} : memref<51x512xf32, #tpu.memory_space<vmem>>, vector<16xf32>,
      %parallel_loop3A_89 = arith.index_cast %parallel_loop3A_19 : i32 to index
      %parallel_loop3A_90 = arith.constant 368 : index
      %parallel_loop3A_91 = tpu.vector_load %arg7[%parallel_loop3A_89, %parallel_loop3A_90] {strides = array<i32>} : memref<51x512xf32, #tpu.memory_space<vmem>>, vector<16xf32>,
      tpu.vector_store %arg7[%parallel_loop3A_89, %parallel_loop3A_90], %broadcast_in_dim3A_8 {strides = array<i32>} : memref<51x512xf32, #tpu.memory_space<vmem>>, vector<16xf32>,
      %parallel_loop3A_92 = arith.index_cast %parallel_loop3A_19 : i32 to index
      %parallel_loop3A_93 = arith.constant 384 : index
      %parallel_loop3A_94 = tpu.vector_load %arg7[%parallel_loop3A_92, %parallel_loop3A_93] {strides = array<i32>} : memref<51x512xf32, #tpu.memory_space<vmem>>, vector<16xf32>,
      tpu.vector_store %arg7[%parallel_loop3A_92, %parallel_loop3A_93], %broadcast_in_dim3A_8 {strides = array<i32>} : memref<51x512xf32, #tpu.memory_space<vmem>>, vector<16xf32>,
      %parallel_loop3A_95 = arith.index_cast %parallel_loop3A_19 : i32 to index
      %parallel_loop3A_96 = arith.constant 400 : index
      %parallel_loop3A_97 = tpu.vector_load %arg7[%parallel_loop3A_95, %parallel_loop3A_96] {strides = array<i32>} : memref<51x512xf32, #tpu.memory_space<vmem>>, vector<16xf32>,
      tpu.vector_store %arg7[%parallel_loop3A_95, %parallel_loop3A_96], %broadcast_in_dim3A_8 {strides = array<i32>} : memref<51x512xf32, #tpu.memory_space<vmem>>, vector<16xf32>,
      %parallel_loop3A_98 = arith.index_cast %parallel_loop3A_19 : i32 to index
      %parallel_loop3A_99 = arith.constant 416 : index
      %parallel_loop3A_100 = tpu.vector_load %arg7[%parallel_loop3A_98, %parallel_loop3A_99] {strides = array<i32>} : memref<51x512xf32, #tpu.memory_space<vmem>>, vector<16xf32>,
      tpu.vector_store %arg7[%parallel_loop3A_98, %parallel_loop3A_99], %broadcast_in_dim3A_8 {strides = array<i32>} : memref<51x512xf32, #tpu.memory_space<vmem>>, vector<16xf32>,
      %parallel_loop3A_101 = arith.index_cast %parallel_loop3A_19 : i32 to index
      %parallel_loop3A_102 = arith.constant 432 : index
      %parallel_loop3A_103 = tpu.vector_load %arg7[%parallel_loop3A_101, %parallel_loop3A_102] {strides = array<i32>} : memref<51x512xf32, #tpu.memory_space<vmem>>, vector<16xf32>,
      tpu.vector_store %arg7[%parallel_loop3A_101, %parallel_loop3A_102], %broadcast_in_dim3A_8 {strides = array<i32>} : memref<51x512xf32, #tpu.memory_space<vmem>>, vector<16xf32>,
      %parallel_loop3A_104 = arith.index_cast %parallel_loop3A_19 : i32 to index
      %parallel_loop3A_105 = arith.constant 448 : index
      %parallel_loop3A_106 = tpu.vector_load %arg7[%parallel_loop3A_104, %parallel_loop3A_105] {strides = array<i32>} : memref<51x512xf32, #tpu.memory_space<vmem>>, vector<16xf32>,
      tpu.vector_store %arg7[%parallel_loop3A_104, %parallel_loop3A_105], %broadcast_in_dim3A_8 {strides = array<i32>} : memref<51x512xf32, #tpu.memory_space<vmem>>, vector<16xf32>,
      %parallel_loop3A_107 = arith.index_cast %parallel_loop3A_19 : i32 to index
      %parallel_loop3A_108 = arith.constant 464 : index
      %parallel_loop3A_109 = tpu.vector_load %arg7[%parallel_loop3A_107, %parallel_loop3A_108] {strides = array<i32>} : memref<51x512xf32, #tpu.memory_space<vmem>>, vector<16xf32>,
      tpu.vector_store %arg7[%parallel_loop3A_107, %parallel_loop3A_108], %broadcast_in_dim3A_8 {strides = array<i32>} : memref<51x512xf32, #tpu.memory_space<vmem>>, vector<16xf32>,
      %parallel_loop3A_110 = arith.index_cast %parallel_loop3A_19 : i32 to index
      %parallel_loop3A_111 = arith.constant 480 : index
      %parallel_loop3A_112 = tpu.vector_load %arg7[%parallel_loop3A_110, %parallel_loop3A_111] {strides = array<i32>} : memref<51x512xf32, #tpu.memory_space<vmem>>, vector<16xf32>,
      tpu.vector_store %arg7[%parallel_loop3A_110, %parallel_loop3A_111], %broadcast_in_dim3A_8 {strides = array<i32>} : memref<51x512xf32, #tpu.memory_space<vmem>>, vector<16xf32>,
      %parallel_loop3A_113 = arith.index_cast %parallel_loop3A_19 : i32 to index
      %parallel_loop3A_114 = arith.constant 496 : index
      %parallel_loop3A_115 = tpu.vector_load %arg7[%parallel_loop3A_113, %parallel_loop3A_114] {strides = array<i32>} : memref<51x512xf32, #tpu.memory_space<vmem>>, vector<16xf32>,
      tpu.vector_store %arg7[%parallel_loop3A_113, %parallel_loop3A_114], %broadcast_in_dim3A_8 {strides = array<i32>} : memref<51x512xf32, #tpu.memory_space<vmem>>, vector<16xf32>,
    } {sc.loop_unroll_factor = 2 : i64, sc.parallel_access}
    %dma_wait3A = tpu.memref_slice %arg2[%mul3A_2] : memref<16384xf32, #tpu.memory_space<hbm>> -> memref<512xf32, #tpu.memory_space<hbm>>
    %dma_wait3A_11 = tpu.memref_slice %arg2[%mul3A_2] : memref<16384xf32, #tpu.memory_space<hbm>> -> memref<512xf32, #tpu.memory_space<hbm>>
    tpu.wait_dma2 semaphore(%arg8 : memref<!tpu.dma_semaphore, #tpu.memory_space<semaphore_mem>>) src(%dma_wait3A_11 : memref<512xf32, #tpu.memory_space<hbm>>) dst(%arg5 : memref<512xf32, #tpu.memory_space<vmem>>)
    %dma_wait3A_12 = arith.constant 0 : i32
    %dma_wait3A_13 = tpu.memref_slice %arg3[%dma_wait3A_12, %mul3A_2] : memref<51x16384xf32, #tpu.memory_space<hbm>> -> memref<51x512xf32, #tpu.memory_space<hbm>>
    %dma_wait3A_14 = arith.constant 0 : i32
    %dma_wait3A_15 = tpu.memref_slice %arg3[%dma_wait3A_14, %mul3A_2] : memref<51x16384xf32, #tpu.memory_space<hbm>> -> memref<51x512xf32, #tpu.memory_space<hbm>>
    tpu.wait_dma2 semaphore(%arg8 : memref<!tpu.dma_semaphore, #tpu.memory_space<semaphore_mem>>) src(%dma_wait3A_15 : memref<51x512xf32, #tpu.memory_space<hbm>>) dst(%arg6 : memref<51x512xf32, #tpu.memory_space<vmem>>)
    %parallel_loop3A_16 = arith.constant 0 : i32
    %parallel_loop3A_17 = arith.constant 32 : i32
    %parallel_loop3A_18 = arith.constant 1 : i32
    scf.for %parallel_loop3A_19 = %parallel_loop3A_16 to %parallel_loop3A_17 step %parallel_loop3A_18  : i32 {
      %parallel_loop3A_20 = arith.constant 16 : i32
      %parallel_loop3A_21 = arith.muli %parallel_loop3A_19, %parallel_loop3A_20 : i32
      %parallel_loop3A_22 = vector.broadcast %parallel_loop3A_21 : i32 to vector<16xi32>
      %parallel_loop3A_23 = arith.addi %iota3A, %parallel_loop3A_22 : vector<16xi32>
      %parallel_loop3A_24 = arith.index_cast %parallel_loop3A_21 : i32 to index
      %parallel_loop3A_25 = tpu.vector_load %arg5[%parallel_loop3A_24] {strides = array<i32>} : memref<512xf32, #tpu.memory_space<vmem>>, vector<16xf32>,
      %parallel_loop3A_26 = arith.constant 2.500000e+00 : f32
      %parallel_loop3A_27 = vector.broadcast %parallel_loop3A_26 : f32 to vector<16xf32>
      %parallel_loop3A_28 = arith.mulf %parallel_loop3A_25, %parallel_loop3A_27 : vector<16xf32>
      %parallel_loop3A_29 = arith.constant -5.200000e+01 : f32
      %parallel_loop3A_30 = arith.constant 5.200000e+01 : f32
      %parallel_loop3A_31 = vector.broadcast %parallel_loop3A_29 : f32 to vector<16xf32>
      %parallel_loop3A_32 = arith.maximumf %parallel_loop3A_31, %parallel_loop3A_28 : vector<16xf32>
      %parallel_loop3A_33 = vector.broadcast %parallel_loop3A_30 : f32 to vector<16xf32>
      %parallel_loop3A_34 = arith.minimumf %parallel_loop3A_33, %parallel_loop3A_32 : vector<16xf32>
      %parallel_loop3A_35 = arith.fptosi %parallel_loop3A_34 : vector<16xf32> to vector<16xi32>
      %parallel_loop3A_36 = arith.sitofp %parallel_loop3A_35 : vector<16xi32> to vector<16xf32>
      %parallel_loop3A_37 = arith.cmpf ogt, %parallel_loop3A_36, %parallel_loop3A_34 : vector<16xf32>
      %parallel_loop3A_38 = arith.extui %parallel_loop3A_37 : vector<16xi1> to vector<16xi32>
      %parallel_loop3A_39 = arith.subi %parallel_loop3A_35, %parallel_loop3A_38 : vector<16xi32>
      %parallel_loop3A_40 = arith.sitofp %parallel_loop3A_39 : vector<16xi32> to vector<16xf32>
      %parallel_loop3A_41 = arith.subf %parallel_loop3A_34, %parallel_loop3A_40 : vector<16xf32>
      %parallel_loop3A_42 = arith.constant 1.000000e+00 : f32
      %parallel_loop3A_43 = vector.broadcast %parallel_loop3A_42 : f32 to vector<16xf32>
      %parallel_loop3A_44 = arith.subf %parallel_loop3A_43, %parallel_loop3A_41 : vector<16xf32>
      %parallel_loop3A_45 = arith.constant 0 : i32
      %parallel_loop3A_46 = arith.index_cast %parallel_loop3A_45 : i32 to index
      %parallel_loop3A_47 = arith.index_cast %parallel_loop3A_21 : i32 to index
      %parallel_loop3A_48 = tpu.vector_load %arg6[%parallel_loop3A_46, %parallel_loop3A_47] {strides = array<i32>} : memref<51x512xf32, #tpu.memory_space<vmem>>, vector<16xf32>,
      %parallel_loop3A_49 = arith.constant 0 : i32
      %parallel_loop3A_50 = arith.constant 50 : i32
      %parallel_loop3A_51 = vector.broadcast %parallel_loop3A_49 : i32 to vector<16xi32>
      %parallel_loop3A_52 = arith.maxsi %parallel_loop3A_51, %parallel_loop3A_39 : vector<16xi32>
      %parallel_loop3A_53 = vector.broadcast %parallel_loop3A_50 : i32 to vector<16xi32>
      %parallel_loop3A_54 = arith.minsi %parallel_loop3A_53, %parallel_loop3A_52 : vector<16xi32>
      %parallel_loop3A_55 = arith.mulf %parallel_loop3A_44, %parallel_loop3A_48 : vector<16xf32>
      tpu.vector_store_idx %arg7[%parallel_loop3A_54, %parallel_loop3A_23], %parallel_loop3A_55 {add = true} : memref<51x512xf32, #tpu.memory_space<vmem>>[vector<16xi32>, vector<16xi32>], vector<16xf32>,
      %parallel_loop3A_56 = arith.constant 1 : i32
      %parallel_loop3A_57 = vector.broadcast %parallel_loop3A_56 : i32 to vector<16xi32>
      %parallel_loop3A_58 = arith.addi %parallel_loop3A_39, %parallel_loop3A_57 : vector<16xi32>
      %parallel_loop3A_59 = arith.constant 0 : i32
      %parallel_loop3A_60 = arith.constant 50 : i32
      %parallel_loop3A_61 = vector.broadcast %parallel_loop3A_59 : i32 to vector<16xi32>
      %parallel_loop3A_62 = arith.maxsi %parallel_loop3A_61, %parallel_loop3A_58 : vector<16xi32>
      %parallel_loop3A_63 = vector.broadcast %parallel_loop3A_60 : i32 to vector<16xi32>
      %parallel_loop3A_64 = arith.minsi %parallel_loop3A_63, %parallel_loop3A_62 : vector<16xi32>
      %parallel_loop3A_65 = arith.constant 1 : i32
      %parallel_loop3A_66 = arith.index_cast %parallel_loop3A_65 : i32 to index
      %parallel_loop3A_67 = arith.index_cast %parallel_loop3A_21 : i32 to index
      %parallel_loop3A_68 = tpu.vector_load %arg6[%parallel_loop3A_66, %parallel_loop3A_67] {strides = array<i32>} : memref<51x512xf32, #tpu.memory_space<vmem>>, vector<16xf32>,
      %parallel_loop3A_69 = arith.mulf %parallel_loop3A_41, %parallel_loop3A_48 : vector<16xf32>
      %parallel_loop3A_70 = arith.mulf %parallel_loop3A_44, %parallel_loop3A_68 : vector<16xf32>
      %parallel_loop3A_71 = arith.addf %parallel_loop3A_69, %parallel_loop3A_70 : vector<16xf32>
      tpu.vector_store_idx %arg7[%parallel_loop3A_64, %parallel_loop3A_23], %parallel_loop3A_71 {add = true} : memref<51x512xf32, #tpu.memory_space<vmem>>[vector<16xi32>, vector<16xi32>], vector<16xf32>,
      %parallel_loop3A_72 = arith.constant 2 : i32
      %parallel_loop3A_73 = vector.broadcast %parallel_loop3A_72 : i32 to vector<16xi32>
      %parallel_loop3A_74 = arith.addi %parallel_loop3A_39, %parallel_loop3A_73 : vector<16xi32>
      %parallel_loop3A_75 = arith.constant 0 : i32
      %parallel_loop3A_76 = arith.constant 50 : i32
      %parallel_loop3A_77 = vector.broadcast %parallel_loop3A_75 : i32 to vector<16xi32>
      %parallel_loop3A_78 = arith.maxsi %parallel_loop3A_77, %parallel_loop3A_74 : vector<16xi32>
      %parallel_loop3A_79 = vector.broadcast %parallel_loop3A_76 : i32 to vector<16xi32>
      %parallel_loop3A_80 = arith.minsi %parallel_loop3A_79, %parallel_loop3A_78 : vector<16xi32>
      %parallel_loop3A_81 = arith.constant 2 : i32
      %parallel_loop3A_82 = arith.index_cast %parallel_loop3A_81 : i32 to index
      %parallel_loop3A_83 = arith.index_cast %parallel_loop3A_21 : i32 to index
      %parallel_loop3A_84 = tpu.vector_load %arg6[%parallel_loop3A_82, %parallel_loop3A_83] {strides = array<i32>} : memref<51x512xf32, #tpu.memory_space<vmem>>, vector<16xf32>,
      %parallel_loop3A_85 = arith.mulf %parallel_loop3A_41, %parallel_loop3A_68 : vector<16xf32>
      %parallel_loop3A_86 = arith.mulf %parallel_loop3A_44, %parallel_loop3A_84 : vector<16xf32>
      %parallel_loop3A_87 = arith.addf %parallel_loop3A_85, %parallel_loop3A_86 : vector<16xf32>
      tpu.vector_store_idx %arg7[%parallel_loop3A_80, %parallel_loop3A_23], %parallel_loop3A_87 {add = true} : memref<51x512xf32, #tpu.memory_space<vmem>>[vector<16xi32>, vector<16xi32>], vector<16xf32>,
      %parallel_loop3A_88 = arith.constant 3 : i32
      %parallel_loop3A_89 = vector.broadcast %parallel_loop3A_88 : i32 to vector<16xi32>
      %parallel_loop3A_90 = arith.addi %parallel_loop3A_39, %parallel_loop3A_89 : vector<16xi32>
      %parallel_loop3A_91 = arith.constant 0 : i32
      %parallel_loop3A_92 = arith.constant 50 : i32
      %parallel_loop3A_93 = vector.broadcast %parallel_loop3A_91 : i32 to vector<16xi32>
      %parallel_loop3A_94 = arith.maxsi %parallel_loop3A_93, %parallel_loop3A_90 : vector<16xi32>
      %parallel_loop3A_95 = vector.broadcast %parallel_loop3A_92 : i32 to vector<16xi32>
      %parallel_loop3A_96 = arith.minsi %parallel_loop3A_95, %parallel_loop3A_94 : vector<16xi32>
      %parallel_loop3A_97 = arith.constant 3 : i32
      %parallel_loop3A_98 = arith.index_cast %parallel_loop3A_97 : i32 to index
      %parallel_loop3A_99 = arith.index_cast %parallel_loop3A_21 : i32 to index
      %parallel_loop3A_100 = tpu.vector_load %arg6[%parallel_loop3A_98, %parallel_loop3A_99] {strides = array<i32>} : memref<51x512xf32, #tpu.memory_space<vmem>>, vector<16xf32>,
      %parallel_loop3A_101 = arith.mulf %parallel_loop3A_41, %parallel_loop3A_84 : vector<16xf32>
      %parallel_loop3A_102 = arith.mulf %parallel_loop3A_44, %parallel_loop3A_100 : vector<16xf32>
      %parallel_loop3A_103 = arith.addf %parallel_loop3A_101, %parallel_loop3A_102 : vector<16xf32>
      tpu.vector_store_idx %arg7[%parallel_loop3A_96, %parallel_loop3A_23], %parallel_loop3A_103 {add = true} : memref<51x512xf32, #tpu.memory_space<vmem>>[vector<16xi32>, vector<16xi32>], vector<16xf32>,
      %parallel_loop3A_104 = arith.constant 4 : i32
      %parallel_loop3A_105 = vector.broadcast %parallel_loop3A_104 : i32 to vector<16xi32>
      %parallel_loop3A_106 = arith.addi %parallel_loop3A_39, %parallel_loop3A_105 : vector<16xi32>
      %parallel_loop3A_107 = arith.constant 0 : i32
      %parallel_loop3A_108 = arith.constant 50 : i32
      %parallel_loop3A_109 = vector.broadcast %parallel_loop3A_107 : i32 to vector<16xi32>
      %parallel_loop3A_110 = arith.maxsi %parallel_loop3A_109, %parallel_loop3A_106 : vector<16xi32>
      %parallel_loop3A_111 = vector.broadcast %parallel_loop3A_108 : i32 to vector<16xi32>
      %parallel_loop3A_112 = arith.minsi %parallel_loop3A_111, %parallel_loop3A_110 : vector<16xi32>
      %parallel_loop3A_113 = arith.constant 4 : i32
      %parallel_loop3A_114 = arith.index_cast %parallel_loop3A_113 : i32 to index
      %parallel_loop3A_115 = arith.index_cast %parallel_loop3A_21 : i32 to index
      %parallel_loop3A_116 = tpu.vector_load %arg6[%parallel_loop3A_114, %parallel_loop3A_115] {strides = array<i32>} : memref<51x512xf32, #tpu.memory_space<vmem>>, vector<16xf32>,
      %parallel_loop3A_117 = arith.mulf %parallel_loop3A_41, %parallel_loop3A_100 : vector<16xf32>
      %parallel_loop3A_118 = arith.mulf %parallel_loop3A_44, %parallel_loop3A_116 : vector<16xf32>
      %parallel_loop3A_119 = arith.addf %parallel_loop3A_117, %parallel_loop3A_118 : vector<16xf32>
      tpu.vector_store_idx %arg7[%parallel_loop3A_112, %parallel_loop3A_23], %parallel_loop3A_119 {add = true} : memref<51x512xf32, #tpu.memory_space<vmem>>[vector<16xi32>, vector<16xi32>], vector<16xf32>,
      %parallel_loop3A_120 = arith.constant 5 : i32
      %parallel_loop3A_121 = vector.broadcast %parallel_loop3A_120 : i32 to vector<16xi32>
      %parallel_loop3A_122 = arith.addi %parallel_loop3A_39, %parallel_loop3A_121 : vector<16xi32>
      %parallel_loop3A_123 = arith.constant 0 : i32
      %parallel_loop3A_124 = arith.constant 50 : i32
      %parallel_loop3A_125 = vector.broadcast %parallel_loop3A_123 : i32 to vector<16xi32>
      %parallel_loop3A_126 = arith.maxsi %parallel_loop3A_125, %parallel_loop3A_122 : vector<16xi32>
      %parallel_loop3A_127 = vector.broadcast %parallel_loop3A_124 : i32 to vector<16xi32>
      %parallel_loop3A_128 = arith.minsi %parallel_loop3A_127, %parallel_loop3A_126 : vector<16xi32>
      %parallel_loop3A_129 = arith.constant 5 : i32
      %parallel_loop3A_130 = arith.index_cast %parallel_loop3A_129 : i32 to index
      %parallel_loop3A_131 = arith.index_cast %parallel_loop3A_21 : i32 to index
      %parallel_loop3A_132 = tpu.vector_load %arg6[%parallel_loop3A_130, %parallel_loop3A_131] {strides = array<i32>} : memref<51x512xf32, #tpu.memory_space<vmem>>, vector<16xf32>,
      %parallel_loop3A_133 = arith.mulf %parallel_loop3A_41, %parallel_loop3A_116 : vector<16xf32>
      %parallel_loop3A_134 = arith.mulf %parallel_loop3A_44, %parallel_loop3A_132 : vector<16xf32>
      %parallel_loop3A_135 = arith.addf %parallel_loop3A_133, %parallel_loop3A_134 : vector<16xf32>
      tpu.vector_store_idx %arg7[%parallel_loop3A_128, %parallel_loop3A_23], %parallel_loop3A_135 {add = true} : memref<51x512xf32, #tpu.memory_space<vmem>>[vector<16xi32>, vector<16xi32>], vector<16xf32>,
      %parallel_loop3A_136 = arith.constant 6 : i32
      %parallel_loop3A_137 = vector.broadcast %parallel_loop3A_136 : i32 to vector<16xi32>
      %parallel_loop3A_138 = arith.addi %parallel_loop3A_39, %parallel_loop3A_137 : vector<16xi32>
      %parallel_loop3A_139 = arith.constant 0 : i32
      %parallel_loop3A_140 = arith.constant 50 : i32
      %parallel_loop3A_141 = vector.broadcast %parallel_loop3A_139 : i32 to vector<16xi32>
      %parallel_loop3A_142 = arith.maxsi %parallel_loop3A_141, %parallel_loop3A_138 : vector<16xi32>
      %parallel_loop3A_143 = vector.broadcast %parallel_loop3A_140 : i32 to vector<16xi32>
      %parallel_loop3A_144 = arith.minsi %parallel_loop3A_143, %parallel_loop3A_142 : vector<16xi32>
      %parallel_loop3A_145 = arith.constant 6 : i32
      %parallel_loop3A_146 = arith.index_cast %parallel_loop3A_145 : i32 to index
      %parallel_loop3A_147 = arith.index_cast %parallel_loop3A_21 : i32 to index
      %parallel_loop3A_148 = tpu.vector_load %arg6[%parallel_loop3A_146, %parallel_loop3A_147] {strides = array<i32>} : memref<51x512xf32, #tpu.memory_space<vmem>>, vector<16xf32>,
      %parallel_loop3A_149 = arith.mulf %parallel_loop3A_41, %parallel_loop3A_132 : vector<16xf32>
      %parallel_loop3A_150 = arith.mulf %parallel_loop3A_44, %parallel_loop3A_148 : vector<16xf32>
      %parallel_loop3A_151 = arith.addf %parallel_loop3A_149, %parallel_loop3A_150 : vector<16xf32>
      tpu.vector_store_idx %arg7[%parallel_loop3A_144, %parallel_loop3A_23], %parallel_loop3A_151 {add = true} : memref<51x512xf32, #tpu.memory_space<vmem>>[vector<16xi32>, vector<16xi32>], vector<16xf32>,
      %parallel_loop3A_152 = arith.constant 7 : i32
      %parallel_loop3A_153 = vector.broadcast %parallel_loop3A_152 : i32 to vector<16xi32>
      %parallel_loop3A_154 = arith.addi %parallel_loop3A_39, %parallel_loop3A_153 : vector<16xi32>
      %parallel_loop3A_155 = arith.constant 0 : i32
      %parallel_loop3A_156 = arith.constant 50 : i32
      %parallel_loop3A_157 = vector.broadcast %parallel_loop3A_155 : i32 to vector<16xi32>
      %parallel_loop3A_158 = arith.maxsi %parallel_loop3A_157, %parallel_loop3A_154 : vector<16xi32>
      %parallel_loop3A_159 = vector.broadcast %parallel_loop3A_156 : i32 to vector<16xi32>
      %parallel_loop3A_160 = arith.minsi %parallel_loop3A_159, %parallel_loop3A_158 : vector<16xi32>
      %parallel_loop3A_161 = arith.constant 7 : i32
      %parallel_loop3A_162 = arith.index_cast %parallel_loop3A_161 : i32 to index
      %parallel_loop3A_163 = arith.index_cast %parallel_loop3A_21 : i32 to index
      %parallel_loop3A_164 = tpu.vector_load %arg6[%parallel_loop3A_162, %parallel_loop3A_163] {strides = array<i32>} : memref<51x512xf32, #tpu.memory_space<vmem>>, vector<16xf32>,
      %parallel_loop3A_165 = arith.mulf %parallel_loop3A_41, %parallel_loop3A_148 : vector<16xf32>
      %parallel_loop3A_166 = arith.mulf %parallel_loop3A_44, %parallel_loop3A_164 : vector<16xf32>
      %parallel_loop3A_167 = arith.addf %parallel_loop3A_165, %parallel_loop3A_166 : vector<16xf32>
      tpu.vector_store_idx %arg7[%parallel_loop3A_160, %parallel_loop3A_23], %parallel_loop3A_167 {add = true} : memref<51x512xf32, #tpu.memory_space<vmem>>[vector<16xi32>, vector<16xi32>], vector<16xf32>,
      %parallel_loop3A_168 = arith.constant 8 : i32
      %parallel_loop3A_169 = vector.broadcast %parallel_loop3A_168 : i32 to vector<16xi32>
      %parallel_loop3A_170 = arith.addi %parallel_loop3A_39, %parallel_loop3A_169 : vector<16xi32>
      %parallel_loop3A_171 = arith.constant 0 : i32
      %parallel_loop3A_172 = arith.constant 50 : i32
      %parallel_loop3A_173 = vector.broadcast %parallel_loop3A_171 : i32 to vector<16xi32>
      %parallel_loop3A_174 = arith.maxsi %parallel_loop3A_173, %parallel_loop3A_170 : vector<16xi32>
      %parallel_loop3A_175 = vector.broadcast %parallel_loop3A_172 : i32 to vector<16xi32>
      %parallel_loop3A_176 = arith.minsi %parallel_loop3A_175, %parallel_loop3A_174 : vector<16xi32>
      %parallel_loop3A_177 = arith.constant 8 : i32
      %parallel_loop3A_178 = arith.index_cast %parallel_loop3A_177 : i32 to index
      %parallel_loop3A_179 = arith.index_cast %parallel_loop3A_21 : i32 to index
      %parallel_loop3A_180 = tpu.vector_load %arg6[%parallel_loop3A_178, %parallel_loop3A_179] {strides = array<i32>} : memref<51x512xf32, #tpu.memory_space<vmem>>, vector<16xf32>,
      %parallel_loop3A_181 = arith.mulf %parallel_loop3A_41, %parallel_loop3A_164 : vector<16xf32>
      %parallel_loop3A_182 = arith.mulf %parallel_loop3A_44, %parallel_loop3A_180 : vector<16xf32>
      %parallel_loop3A_183 = arith.addf %parallel_loop3A_181, %parallel_loop3A_182 : vector<16xf32>
      tpu.vector_store_idx %arg7[%parallel_loop3A_176, %parallel_loop3A_23], %parallel_loop3A_183 {add = true} : memref<51x512xf32, #tpu.memory_space<vmem>>[vector<16xi32>, vector<16xi32>], vector<16xf32>,
      %parallel_loop3A_184 = arith.constant 9 : i32
      %parallel_loop3A_185 = vector.broadcast %parallel_loop3A_184 : i32 to vector<16xi32>
      %parallel_loop3A_186 = arith.addi %parallel_loop3A_39, %parallel_loop3A_185 : vector<16xi32>
      %parallel_loop3A_187 = arith.constant 0 : i32
      %parallel_loop3A_188 = arith.constant 50 : i32
      %parallel_loop3A_189 = vector.broadcast %parallel_loop3A_187 : i32 to vector<16xi32>
      %parallel_loop3A_190 = arith.maxsi %parallel_loop3A_189, %parallel_loop3A_186 : vector<16xi32>
      %parallel_loop3A_191 = vector.broadcast %parallel_loop3A_188 : i32 to vector<16xi32>
      %parallel_loop3A_192 = arith.minsi %parallel_loop3A_191, %parallel_loop3A_190 : vector<16xi32>
      %parallel_loop3A_193 = arith.constant 9 : i32
      %parallel_loop3A_194 = arith.index_cast %parallel_loop3A_193 : i32 to index
      %parallel_loop3A_195 = arith.index_cast %parallel_loop3A_21 : i32 to index
      %parallel_loop3A_196 = tpu.vector_load %arg6[%parallel_loop3A_194, %parallel_loop3A_195] {strides = array<i32>} : memref<51x512xf32, #tpu.memory_space<vmem>>, vector<16xf32>,
      %parallel_loop3A_197 = arith.mulf %parallel_loop3A_41, %parallel_loop3A_180 : vector<16xf32>
      %parallel_loop3A_198 = arith.mulf %parallel_loop3A_44, %parallel_loop3A_196 : vector<16xf32>
      %parallel_loop3A_199 = arith.addf %parallel_loop3A_197, %parallel_loop3A_198 : vector<16xf32>
      tpu.vector_store_idx %arg7[%parallel_loop3A_192, %parallel_loop3A_23], %parallel_loop3A_199 {add = true} : memref<51x512xf32, #tpu.memory_space<vmem>>[vector<16xi32>, vector<16xi32>], vector<16xf32>,
      %parallel_loop3A_200 = arith.constant 10 : i32
      %parallel_loop3A_201 = vector.broadcast %parallel_loop3A_200 : i32 to vector<16xi32>
      %parallel_loop3A_202 = arith.addi %parallel_loop3A_39, %parallel_loop3A_201 : vector<16xi32>
      %parallel_loop3A_203 = arith.constant 0 : i32
      %parallel_loop3A_204 = arith.constant 50 : i32
      %parallel_loop3A_205 = vector.broadcast %parallel_loop3A_203 : i32 to vector<16xi32>
      %parallel_loop3A_206 = arith.maxsi %parallel_loop3A_205, %parallel_loop3A_202 : vector<16xi32>
      %parallel_loop3A_207 = vector.broadcast %parallel_loop3A_204 : i32 to vector<16xi32>
      %parallel_loop3A_208 = arith.minsi %parallel_loop3A_207, %parallel_loop3A_206 : vector<16xi32>
      %parallel_loop3A_209 = arith.constant 10 : i32
      %parallel_loop3A_210 = arith.index_cast %parallel_loop3A_209 : i32 to index
      %parallel_loop3A_211 = arith.index_cast %parallel_loop3A_21 : i32 to index
      %parallel_loop3A_212 = tpu.vector_load %arg6[%parallel_loop3A_210, %parallel_loop3A_211] {strides = array<i32>} : memref<51x512xf32, #tpu.memory_space<vmem>>, vector<16xf32>,
      %parallel_loop3A_213 = arith.mulf %parallel_loop3A_41, %parallel_loop3A_196 : vector<16xf32>
      %parallel_loop3A_214 = arith.mulf %parallel_loop3A_44, %parallel_loop3A_212 : vector<16xf32>
      %parallel_loop3A_215 = arith.addf %parallel_loop3A_213, %parallel_loop3A_214 : vector<16xf32>
      tpu.vector_store_idx %arg7[%parallel_loop3A_208, %parallel_loop3A_23], %parallel_loop3A_215 {add = true} : memref<51x512xf32, #tpu.memory_space<vmem>>[vector<16xi32>, vector<16xi32>], vector<16xf32>,
      %parallel_loop3A_216 = arith.constant 11 : i32
      %parallel_loop3A_217 = vector.broadcast %parallel_loop3A_216 : i32 to vector<16xi32>
      %parallel_loop3A_218 = arith.addi %parallel_loop3A_39, %parallel_loop3A_217 : vector<16xi32>
      %parallel_loop3A_219 = arith.constant 0 : i32
      %parallel_loop3A_220 = arith.constant 50 : i32
      %parallel_loop3A_221 = vector.broadcast %parallel_loop3A_219 : i32 to vector<16xi32>
      %parallel_loop3A_222 = arith.maxsi %parallel_loop3A_221, %parallel_loop3A_218 : vector<16xi32>
      %parallel_loop3A_223 = vector.broadcast %parallel_loop3A_220 : i32 to vector<16xi32>
      %parallel_loop3A_224 = arith.minsi %parallel_loop3A_223, %parallel_loop3A_222 : vector<16xi32>
      %parallel_loop3A_225 = arith.constant 11 : i32
      %parallel_loop3A_226 = arith.index_cast %parallel_loop3A_225 : i32 to index
      %parallel_loop3A_227 = arith.index_cast %parallel_loop3A_21 : i32 to index
      %parallel_loop3A_228 = tpu.vector_load %arg6[%parallel_loop3A_226, %parallel_loop3A_227] {strides = array<i32>} : memref<51x512xf32, #tpu.memory_space<vmem>>, vector<16xf32>,
      %parallel_loop3A_229 = arith.mulf %parallel_loop3A_41, %parallel_loop3A_212 : vector<16xf32>
      %parallel_loop3A_230 = arith.mulf %parallel_loop3A_44, %parallel_loop3A_228 : vector<16xf32>
      %parallel_loop3A_231 = arith.addf %parallel_loop3A_229, %parallel_loop3A_230 : vector<16xf32>
      tpu.vector_store_idx %arg7[%parallel_loop3A_224, %parallel_loop3A_23], %parallel_loop3A_231 {add = true} : memref<51x512xf32, #tpu.memory_space<vmem>>[vector<16xi32>, vector<16xi32>], vector<16xf32>,
      %parallel_loop3A_232 = arith.constant 12 : i32
      %parallel_loop3A_233 = vector.broadcast %parallel_loop3A_232 : i32 to vector<16xi32>
      %parallel_loop3A_234 = arith.addi %parallel_loop3A_39, %parallel_loop3A_233 : vector<16xi32>
      %parallel_loop3A_235 = arith.constant 0 : i32
      %parallel_loop3A_236 = arith.constant 50 : i32
      %parallel_loop3A_237 = vector.broadcast %parallel_loop3A_235 : i32 to vector<16xi32>
      %parallel_loop3A_238 = arith.maxsi %parallel_loop3A_237, %parallel_loop3A_234 : vector<16xi32>
      %parallel_loop3A_239 = vector.broadcast %parallel_loop3A_236 : i32 to vector<16xi32>
      %parallel_loop3A_240 = arith.minsi %parallel_loop3A_239, %parallel_loop3A_238 : vector<16xi32>
      %parallel_loop3A_241 = arith.constant 12 : i32
      %parallel_loop3A_242 = arith.index_cast %parallel_loop3A_241 : i32 to index
      %parallel_loop3A_243 = arith.index_cast %parallel_loop3A_21 : i32 to index
      %parallel_loop3A_244 = tpu.vector_load %arg6[%parallel_loop3A_242, %parallel_loop3A_243] {strides = array<i32>} : memref<51x512xf32, #tpu.memory_space<vmem>>, vector<16xf32>,
      %parallel_loop3A_245 = arith.mulf %parallel_loop3A_41, %parallel_loop3A_228 : vector<16xf32>
      %parallel_loop3A_246 = arith.mulf %parallel_loop3A_44, %parallel_loop3A_244 : vector<16xf32>
      %parallel_loop3A_247 = arith.addf %parallel_loop3A_245, %parallel_loop3A_246 : vector<16xf32>
      tpu.vector_store_idx %arg7[%parallel_loop3A_240, %parallel_loop3A_23], %parallel_loop3A_247 {add = true} : memref<51x512xf32, #tpu.memory_space<vmem>>[vector<16xi32>, vector<16xi32>], vector<16xf32>,
      %parallel_loop3A_248 = arith.constant 13 : i32
      %parallel_loop3A_249 = vector.broadcast %parallel_loop3A_248 : i32 to vector<16xi32>
      %parallel_loop3A_250 = arith.addi %parallel_loop3A_39, %parallel_loop3A_249 : vector<16xi32>
      %parallel_loop3A_251 = arith.constant 0 : i32
      %parallel_loop3A_252 = arith.constant 50 : i32
      %parallel_loop3A_253 = vector.broadcast %parallel_loop3A_251 : i32 to vector<16xi32>
      %parallel_loop3A_254 = arith.maxsi %parallel_loop3A_253, %parallel_loop3A_250 : vector<16xi32>
      %parallel_loop3A_255 = vector.broadcast %parallel_loop3A_252 : i32 to vector<16xi32>
      %parallel_loop3A_256 = arith.minsi %parallel_loop3A_255, %parallel_loop3A_254 : vector<16xi32>
      %parallel_loop3A_257 = arith.constant 13 : i32
      %parallel_loop3A_258 = arith.index_cast %parallel_loop3A_257 : i32 to index
      %parallel_loop3A_259 = arith.index_cast %parallel_loop3A_21 : i32 to index
      %parallel_loop3A_260 = tpu.vector_load %arg6[%parallel_loop3A_258, %parallel_loop3A_259] {strides = array<i32>} : memref<51x512xf32, #tpu.memory_space<vmem>>, vector<16xf32>,
      %parallel_loop3A_261 = arith.mulf %parallel_loop3A_41, %parallel_loop3A_244 : vector<16xf32>
      %parallel_loop3A_262 = arith.mulf %parallel_loop3A_44, %parallel_loop3A_260 : vector<16xf32>
      %parallel_loop3A_263 = arith.addf %parallel_loop3A_261, %parallel_loop3A_262 : vector<16xf32>
      tpu.vector_store_idx %arg7[%parallel_loop3A_256, %parallel_loop3A_23], %parallel_loop3A_263 {add = true} : memref<51x512xf32, #tpu.memory_space<vmem>>[vector<16xi32>, vector<16xi32>], vector<16xf32>,
      %parallel_loop3A_264 = arith.constant 14 : i32
      %parallel_loop3A_265 = vector.broadcast %parallel_loop3A_264 : i32 to vector<16xi32>
      %parallel_loop3A_266 = arith.addi %parallel_loop3A_39, %parallel_loop3A_265 : vector<16xi32>
      %parallel_loop3A_267 = arith.constant 0 : i32
      %parallel_loop3A_268 = arith.constant 50 : i32
      %parallel_loop3A_269 = vector.broadcast %parallel_loop3A_267 : i32 to vector<16xi32>
      %parallel_loop3A_270 = arith.maxsi %parallel_loop3A_269, %parallel_loop3A_266 : vector<16xi32>
      %parallel_loop3A_271 = vector.broadcast %parallel_loop3A_268 : i32 to vector<16xi32>
      %parallel_loop3A_272 = arith.minsi %parallel_loop3A_271, %parallel_loop3A_270 : vector<16xi32>
      %parallel_loop3A_273 = arith.constant 14 : i32
      %parallel_loop3A_274 = arith.index_cast %parallel_loop3A_273 : i32 to index
      %parallel_loop3A_275 = arith.index_cast %parallel_loop3A_21 : i32 to index
      %parallel_loop3A_276 = tpu.vector_load %arg6[%parallel_loop3A_274, %parallel_loop3A_275] {strides = array<i32>} : memref<51x512xf32, #tpu.memory_space<vmem>>, vector<16xf32>,
      %parallel_loop3A_277 = arith.mulf %parallel_loop3A_41, %parallel_loop3A_260 : vector<16xf32>
      %parallel_loop3A_278 = arith.mulf %parallel_loop3A_44, %parallel_loop3A_276 : vector<16xf32>
      %parallel_loop3A_279 = arith.addf %parallel_loop3A_277, %parallel_loop3A_278 : vector<16xf32>
      tpu.vector_store_idx %arg7[%parallel_loop3A_272, %parallel_loop3A_23], %parallel_loop3A_279 {add = true} : memref<51x512xf32, #tpu.memory_space<vmem>>[vector<16xi32>, vector<16xi32>], vector<16xf32>,
      %parallel_loop3A_280 = arith.constant 15 : i32
      %parallel_loop3A_281 = vector.broadcast %parallel_loop3A_280 : i32 to vector<16xi32>
      %parallel_loop3A_282 = arith.addi %parallel_loop3A_39, %parallel_loop3A_281 : vector<16xi32>
      %parallel_loop3A_283 = arith.constant 0 : i32
      %parallel_loop3A_284 = arith.constant 50 : i32
      %parallel_loop3A_285 = vector.broadcast %parallel_loop3A_283 : i32 to vector<16xi32>
      %parallel_loop3A_286 = arith.maxsi %parallel_loop3A_285, %parallel_loop3A_282 : vector<16xi32>
      %parallel_loop3A_287 = vector.broadcast %parallel_loop3A_284 : i32 to vector<16xi32>
      %parallel_loop3A_288 = arith.minsi %parallel_loop3A_287, %parallel_loop3A_286 : vector<16xi32>
      %parallel_loop3A_289 = arith.constant 15 : i32
      %parallel_loop3A_290 = arith.index_cast %parallel_loop3A_289 : i32 to index
      %parallel_loop3A_291 = arith.index_cast %parallel_loop3A_21 : i32 to index
      %parallel_loop3A_292 = tpu.vector_load %arg6[%parallel_loop3A_290, %parallel_loop3A_291] {strides = array<i32>} : memref<51x512xf32, #tpu.memory_space<vmem>>, vector<16xf32>,
      %parallel_loop3A_293 = arith.mulf %parallel_loop3A_41, %parallel_loop3A_276 : vector<16xf32>
      %parallel_loop3A_294 = arith.mulf %parallel_loop3A_44, %parallel_loop3A_292 : vector<16xf32>
      %parallel_loop3A_295 = arith.addf %parallel_loop3A_293, %parallel_loop3A_294 : vector<16xf32>
      tpu.vector_store_idx %arg7[%parallel_loop3A_288, %parallel_loop3A_23], %parallel_loop3A_295 {add = true} : memref<51x512xf32, #tpu.memory_space<vmem>>[vector<16xi32>, vector<16xi32>], vector<16xf32>,
      %parallel_loop3A_296 = arith.constant 16 : i32
      %parallel_loop3A_297 = vector.broadcast %parallel_loop3A_296 : i32 to vector<16xi32>
      %parallel_loop3A_298 = arith.addi %parallel_loop3A_39, %parallel_loop3A_297 : vector<16xi32>
      %parallel_loop3A_299 = arith.constant 0 : i32
      %parallel_loop3A_300 = arith.constant 50 : i32
      %parallel_loop3A_301 = vector.broadcast %parallel_loop3A_299 : i32 to vector<16xi32>
      %parallel_loop3A_302 = arith.maxsi %parallel_loop3A_301, %parallel_loop3A_298 : vector<16xi32>
      %parallel_loop3A_303 = vector.broadcast %parallel_loop3A_300 : i32 to vector<16xi32>
      %parallel_loop3A_304 = arith.minsi %parallel_loop3A_303, %parallel_loop3A_302 : vector<16xi32>
      %parallel_loop3A_305 = arith.constant 16 : i32
      %parallel_loop3A_306 = arith.index_cast %parallel_loop3A_305 : i32 to index
      %parallel_loop3A_307 = arith.index_cast %parallel_loop3A_21 : i32 to index
      %parallel_loop3A_308 = tpu.vector_load %arg6[%parallel_loop3A_306, %parallel_loop3A_307] {strides = array<i32>} : memref<51x512xf32, #tpu.memory_space<vmem>>, vector<16xf32>,
      %parallel_loop3A_309 = arith.mulf %parallel_loop3A_41, %parallel_loop3A_292 : vector<16xf32>
      %parallel_loop3A_310 = arith.mulf %parallel_loop3A_44, %parallel_loop3A_308 : vector<16xf32>
      %parallel_loop3A_311 = arith.addf %parallel_loop3A_309, %parallel_loop3A_310 : vector<16xf32>
      tpu.vector_store_idx %arg7[%parallel_loop3A_304, %parallel_loop3A_23], %parallel_loop3A_311 {add = true} : memref<51x512xf32, #tpu.memory_space<vmem>>[vector<16xi32>, vector<16xi32>], vector<16xf32>,
      %parallel_loop3A_312 = arith.constant 17 : i32
      %parallel_loop3A_313 = vector.broadcast %parallel_loop3A_312 : i32 to vector<16xi32>
      %parallel_loop3A_314 = arith.addi %parallel_loop3A_39, %parallel_loop3A_313 : vector<16xi32>
      %parallel_loop3A_315 = arith.constant 0 : i32
      %parallel_loop3A_316 = arith.constant 50 : i32
      %parallel_loop3A_317 = vector.broadcast %parallel_loop3A_315 : i32 to vector<16xi32>
      %parallel_loop3A_318 = arith.maxsi %parallel_loop3A_317, %parallel_loop3A_314 : vector<16xi32>
      %parallel_loop3A_319 = vector.broadcast %parallel_loop3A_316 : i32 to vector<16xi32>
      %parallel_loop3A_320 = arith.minsi %parallel_loop3A_319, %parallel_loop3A_318 : vector<16xi32>
      %parallel_loop3A_321 = arith.constant 17 : i32
      %parallel_loop3A_322 = arith.index_cast %parallel_loop3A_321 : i32 to index
      %parallel_loop3A_323 = arith.index_cast %parallel_loop3A_21 : i32 to index
      %parallel_loop3A_324 = tpu.vector_load %arg6[%parallel_loop3A_322, %parallel_loop3A_323] {strides = array<i32>} : memref<51x512xf32, #tpu.memory_space<vmem>>, vector<16xf32>,
      %parallel_loop3A_325 = arith.mulf %parallel_loop3A_41, %parallel_loop3A_308 : vector<16xf32>
      %parallel_loop3A_326 = arith.mulf %parallel_loop3A_44, %parallel_loop3A_324 : vector<16xf32>
      %parallel_loop3A_327 = arith.addf %parallel_loop3A_325, %parallel_loop3A_326 : vector<16xf32>
      tpu.vector_store_idx %arg7[%parallel_loop3A_320, %parallel_loop3A_23], %parallel_loop3A_327 {add = true} : memref<51x512xf32, #tpu.memory_space<vmem>>[vector<16xi32>, vector<16xi32>], vector<16xf32>,
      %parallel_loop3A_328 = arith.constant 18 : i32
      %parallel_loop3A_329 = vector.broadcast %parallel_loop3A_328 : i32 to vector<16xi32>
      %parallel_loop3A_330 = arith.addi %parallel_loop3A_39, %parallel_loop3A_329 : vector<16xi32>
      %parallel_loop3A_331 = arith.constant 0 : i32
      %parallel_loop3A_332 = arith.constant 50 : i32
      %parallel_loop3A_333 = vector.broadcast %parallel_loop3A_331 : i32 to vector<16xi32>
      %parallel_loop3A_334 = arith.maxsi %parallel_loop3A_333, %parallel_loop3A_330 : vector<16xi32>
      %parallel_loop3A_335 = vector.broadcast %parallel_loop3A_332 : i32 to vector<16xi32>
      %parallel_loop3A_336 = arith.minsi %parallel_loop3A_335, %parallel_loop3A_334 : vector<16xi32>
      %parallel_loop3A_337 = arith.constant 18 : i32
      %parallel_loop3A_338 = arith.index_cast %parallel_loop3A_337 : i32 to index
      %parallel_loop3A_339 = arith.index_cast %parallel_loop3A_21 : i32 to index
      %parallel_loop3A_340 = tpu.vector_load %arg6[%parallel_loop3A_338, %parallel_loop3A_339] {strides = array<i32>} : memref<51x512xf32, #tpu.memory_space<vmem>>, vector<16xf32>,
      %parallel_loop3A_341 = arith.mulf %parallel_loop3A_41, %parallel_loop3A_324 : vector<16xf32>
      %parallel_loop3A_342 = arith.mulf %parallel_loop3A_44, %parallel_loop3A_340 : vector<16xf32>
      %parallel_loop3A_343 = arith.addf %parallel_loop3A_341, %parallel_loop3A_342 : vector<16xf32>
      tpu.vector_store_idx %arg7[%parallel_loop3A_336, %parallel_loop3A_23], %parallel_loop3A_343 {add = true} : memref<51x512xf32, #tpu.memory_space<vmem>>[vector<16xi32>, vector<16xi32>], vector<16xf32>,
      %parallel_loop3A_344 = arith.constant 19 : i32
      %parallel_loop3A_345 = vector.broadcast %parallel_loop3A_344 : i32 to vector<16xi32>
      %parallel_loop3A_346 = arith.addi %parallel_loop3A_39, %parallel_loop3A_345 : vector<16xi32>
      %parallel_loop3A_347 = arith.constant 0 : i32
      %parallel_loop3A_348 = arith.constant 50 : i32
      %parallel_loop3A_349 = vector.broadcast %parallel_loop3A_347 : i32 to vector<16xi32>
      %parallel_loop3A_350 = arith.maxsi %parallel_loop3A_349, %parallel_loop3A_346 : vector<16xi32>
      %parallel_loop3A_351 = vector.broadcast %parallel_loop3A_348 : i32 to vector<16xi32>
      %parallel_loop3A_352 = arith.minsi %parallel_loop3A_351, %parallel_loop3A_350 : vector<16xi32>
      %parallel_loop3A_353 = arith.constant 19 : i32
      %parallel_loop3A_354 = arith.index_cast %parallel_loop3A_353 : i32 to index
      %parallel_loop3A_355 = arith.index_cast %parallel_loop3A_21 : i32 to index
      %parallel_loop3A_356 = tpu.vector_load %arg6[%parallel_loop3A_354, %parallel_loop3A_355] {strides = array<i32>} : memref<51x512xf32, #tpu.memory_space<vmem>>, vector<16xf32>,
      %parallel_loop3A_357 = arith.mulf %parallel_loop3A_41, %parallel_loop3A_340 : vector<16xf32>
      %parallel_loop3A_358 = arith.mulf %parallel_loop3A_44, %parallel_loop3A_356 : vector<16xf32>
      %parallel_loop3A_359 = arith.addf %parallel_loop3A_357, %parallel_loop3A_358 : vector<16xf32>
      tpu.vector_store_idx %arg7[%parallel_loop3A_352, %parallel_loop3A_23], %parallel_loop3A_359 {add = true} : memref<51x512xf32, #tpu.memory_space<vmem>>[vector<16xi32>, vector<16xi32>], vector<16xf32>,
      %parallel_loop3A_360 = arith.constant 20 : i32
      %parallel_loop3A_361 = vector.broadcast %parallel_loop3A_360 : i32 to vector<16xi32>
      %parallel_loop3A_362 = arith.addi %parallel_loop3A_39, %parallel_loop3A_361 : vector<16xi32>
      %parallel_loop3A_363 = arith.constant 0 : i32
      %parallel_loop3A_364 = arith.constant 50 : i32
      %parallel_loop3A_365 = vector.broadcast %parallel_loop3A_363 : i32 to vector<16xi32>
      %parallel_loop3A_366 = arith.maxsi %parallel_loop3A_365, %parallel_loop3A_362 : vector<16xi32>
      %parallel_loop3A_367 = vector.broadcast %parallel_loop3A_364 : i32 to vector<16xi32>
      %parallel_loop3A_368 = arith.minsi %parallel_loop3A_367, %parallel_loop3A_366 : vector<16xi32>
      %parallel_loop3A_369 = arith.constant 20 : i32
      %parallel_loop3A_370 = arith.index_cast %parallel_loop3A_369 : i32 to index
      %parallel_loop3A_371 = arith.index_cast %parallel_loop3A_21 : i32 to index
      %parallel_loop3A_372 = tpu.vector_load %arg6[%parallel_loop3A_370, %parallel_loop3A_371] {strides = array<i32>} : memref<51x512xf32, #tpu.memory_space<vmem>>, vector<16xf32>,
      %parallel_loop3A_373 = arith.mulf %parallel_loop3A_41, %parallel_loop3A_356 : vector<16xf32>
      %parallel_loop3A_374 = arith.mulf %parallel_loop3A_44, %parallel_loop3A_372 : vector<16xf32>
      %parallel_loop3A_375 = arith.addf %parallel_loop3A_373, %parallel_loop3A_374 : vector<16xf32>
      tpu.vector_store_idx %arg7[%parallel_loop3A_368, %parallel_loop3A_23], %parallel_loop3A_375 {add = true} : memref<51x512xf32, #tpu.memory_space<vmem>>[vector<16xi32>, vector<16xi32>], vector<16xf32>,
      %parallel_loop3A_376 = arith.constant 21 : i32
      %parallel_loop3A_377 = vector.broadcast %parallel_loop3A_376 : i32 to vector<16xi32>
      %parallel_loop3A_378 = arith.addi %parallel_loop3A_39, %parallel_loop3A_377 : vector<16xi32>
      %parallel_loop3A_379 = arith.constant 0 : i32
      %parallel_loop3A_380 = arith.constant 50 : i32
      %parallel_loop3A_381 = vector.broadcast %parallel_loop3A_379 : i32 to vector<16xi32>
      %parallel_loop3A_382 = arith.maxsi %parallel_loop3A_381, %parallel_loop3A_378 : vector<16xi32>
      %parallel_loop3A_383 = vector.broadcast %parallel_loop3A_380 : i32 to vector<16xi32>
      %parallel_loop3A_384 = arith.minsi %parallel_loop3A_383, %parallel_loop3A_382 : vector<16xi32>
      %parallel_loop3A_385 = arith.constant 21 : i32
      %parallel_loop3A_386 = arith.index_cast %parallel_loop3A_385 : i32 to index
      %parallel_loop3A_387 = arith.index_cast %parallel_loop3A_21 : i32 to index
      %parallel_loop3A_388 = tpu.vector_load %arg6[%parallel_loop3A_386, %parallel_loop3A_387] {strides = array<i32>} : memref<51x512xf32, #tpu.memory_space<vmem>>, vector<16xf32>,
      %parallel_loop3A_389 = arith.mulf %parallel_loop3A_41, %parallel_loop3A_372 : vector<16xf32>
      %parallel_loop3A_390 = arith.mulf %parallel_loop3A_44, %parallel_loop3A_388 : vector<16xf32>
      %parallel_loop3A_391 = arith.addf %parallel_loop3A_389, %parallel_loop3A_390 : vector<16xf32>
      tpu.vector_store_idx %arg7[%parallel_loop3A_384, %parallel_loop3A_23], %parallel_loop3A_391 {add = true} : memref<51x512xf32, #tpu.memory_space<vmem>>[vector<16xi32>, vector<16xi32>], vector<16xf32>,
      %parallel_loop3A_392 = arith.constant 22 : i32
      %parallel_loop3A_393 = vector.broadcast %parallel_loop3A_392 : i32 to vector<16xi32>
      %parallel_loop3A_394 = arith.addi %parallel_loop3A_39, %parallel_loop3A_393 : vector<16xi32>
      %parallel_loop3A_395 = arith.constant 0 : i32
      %parallel_loop3A_396 = arith.constant 50 : i32
      %parallel_loop3A_397 = vector.broadcast %parallel_loop3A_395 : i32 to vector<16xi32>
      %parallel_loop3A_398 = arith.maxsi %parallel_loop3A_397, %parallel_loop3A_394 : vector<16xi32>
      %parallel_loop3A_399 = vector.broadcast %parallel_loop3A_396 : i32 to vector<16xi32>
      %parallel_loop3A_400 = arith.minsi %parallel_loop3A_399, %parallel_loop3A_398 : vector<16xi32>
      %parallel_loop3A_401 = arith.constant 22 : i32
      %parallel_loop3A_402 = arith.index_cast %parallel_loop3A_401 : i32 to index
      %parallel_loop3A_403 = arith.index_cast %parallel_loop3A_21 : i32 to index
      %parallel_loop3A_404 = tpu.vector_load %arg6[%parallel_loop3A_402, %parallel_loop3A_403] {strides = array<i32>} : memref<51x512xf32, #tpu.memory_space<vmem>>, vector<16xf32>,
      %parallel_loop3A_405 = arith.mulf %parallel_loop3A_41, %parallel_loop3A_388 : vector<16xf32>
      %parallel_loop3A_406 = arith.mulf %parallel_loop3A_44, %parallel_loop3A_404 : vector<16xf32>
      %parallel_loop3A_407 = arith.addf %parallel_loop3A_405, %parallel_loop3A_406 : vector<16xf32>
      tpu.vector_store_idx %arg7[%parallel_loop3A_400, %parallel_loop3A_23], %parallel_loop3A_407 {add = true} : memref<51x512xf32, #tpu.memory_space<vmem>>[vector<16xi32>, vector<16xi32>], vector<16xf32>,
      %parallel_loop3A_408 = arith.constant 23 : i32
      %parallel_loop3A_409 = vector.broadcast %parallel_loop3A_408 : i32 to vector<16xi32>
      %parallel_loop3A_410 = arith.addi %parallel_loop3A_39, %parallel_loop3A_409 : vector<16xi32>
      %parallel_loop3A_411 = arith.constant 0 : i32
      %parallel_loop3A_412 = arith.constant 50 : i32
      %parallel_loop3A_413 = vector.broadcast %parallel_loop3A_411 : i32 to vector<16xi32>
      %parallel_loop3A_414 = arith.maxsi %parallel_loop3A_413, %parallel_loop3A_410 : vector<16xi32>
      %parallel_loop3A_415 = vector.broadcast %parallel_loop3A_412 : i32 to vector<16xi32>
      %parallel_loop3A_416 = arith.minsi %parallel_loop3A_415, %parallel_loop3A_414 : vector<16xi32>
      %parallel_loop3A_417 = arith.constant 23 : i32
      %parallel_loop3A_418 = arith.index_cast %parallel_loop3A_417 : i32 to index
      %parallel_loop3A_419 = arith.index_cast %parallel_loop3A_21 : i32 to index
      %parallel_loop3A_420 = tpu.vector_load %arg6[%parallel_loop3A_418, %parallel_loop3A_419] {strides = array<i32>} : memref<51x512xf32, #tpu.memory_space<vmem>>, vector<16xf32>,
      %parallel_loop3A_421 = arith.mulf %parallel_loop3A_41, %parallel_loop3A_404 : vector<16xf32>
      %parallel_loop3A_422 = arith.mulf %parallel_loop3A_44, %parallel_loop3A_420 : vector<16xf32>
      %parallel_loop3A_423 = arith.addf %parallel_loop3A_421, %parallel_loop3A_422 : vector<16xf32>
      tpu.vector_store_idx %arg7[%parallel_loop3A_416, %parallel_loop3A_23], %parallel_loop3A_423 {add = true} : memref<51x512xf32, #tpu.memory_space<vmem>>[vector<16xi32>, vector<16xi32>], vector<16xf32>,
      %parallel_loop3A_424 = arith.constant 24 : i32
      %parallel_loop3A_425 = vector.broadcast %parallel_loop3A_424 : i32 to vector<16xi32>
      %parallel_loop3A_426 = arith.addi %parallel_loop3A_39, %parallel_loop3A_425 : vector<16xi32>
      %parallel_loop3A_427 = arith.constant 0 : i32
      %parallel_loop3A_428 = arith.constant 50 : i32
      %parallel_loop3A_429 = vector.broadcast %parallel_loop3A_427 : i32 to vector<16xi32>
      %parallel_loop3A_430 = arith.maxsi %parallel_loop3A_429, %parallel_loop3A_426 : vector<16xi32>
      %parallel_loop3A_431 = vector.broadcast %parallel_loop3A_428 : i32 to vector<16xi32>
      %parallel_loop3A_432 = arith.minsi %parallel_loop3A_431, %parallel_loop3A_430 : vector<16xi32>
      %parallel_loop3A_433 = arith.constant 24 : i32
      %parallel_loop3A_434 = arith.index_cast %parallel_loop3A_433 : i32 to index
      %parallel_loop3A_435 = arith.index_cast %parallel_loop3A_21 : i32 to index
      %parallel_loop3A_436 = tpu.vector_load %arg6[%parallel_loop3A_434, %parallel_loop3A_435] {strides = array<i32>} : memref<51x512xf32, #tpu.memory_space<vmem>>, vector<16xf32>,
      %parallel_loop3A_437 = arith.mulf %parallel_loop3A_41, %parallel_loop3A_420 : vector<16xf32>
      %parallel_loop3A_438 = arith.mulf %parallel_loop3A_44, %parallel_loop3A_436 : vector<16xf32>
      %parallel_loop3A_439 = arith.addf %parallel_loop3A_437, %parallel_loop3A_438 : vector<16xf32>
      tpu.vector_store_idx %arg7[%parallel_loop3A_432, %parallel_loop3A_23], %parallel_loop3A_439 {add = true} : memref<51x512xf32, #tpu.memory_space<vmem>>[vector<16xi32>, vector<16xi32>], vector<16xf32>,
      %parallel_loop3A_440 = arith.constant 25 : i32
      %parallel_loop3A_441 = vector.broadcast %parallel_loop3A_440 : i32 to vector<16xi32>
      %parallel_loop3A_442 = arith.addi %parallel_loop3A_39, %parallel_loop3A_441 : vector<16xi32>
      %parallel_loop3A_443 = arith.constant 0 : i32
      %parallel_loop3A_444 = arith.constant 50 : i32
      %parallel_loop3A_445 = vector.broadcast %parallel_loop3A_443 : i32 to vector<16xi32>
      %parallel_loop3A_446 = arith.maxsi %parallel_loop3A_445, %parallel_loop3A_442 : vector<16xi32>
      %parallel_loop3A_447 = vector.broadcast %parallel_loop3A_444 : i32 to vector<16xi32>
      %parallel_loop3A_448 = arith.minsi %parallel_loop3A_447, %parallel_loop3A_446 : vector<16xi32>
      %parallel_loop3A_449 = arith.constant 25 : i32
      %parallel_loop3A_450 = arith.index_cast %parallel_loop3A_449 : i32 to index
      %parallel_loop3A_451 = arith.index_cast %parallel_loop3A_21 : i32 to index
      %parallel_loop3A_452 = tpu.vector_load %arg6[%parallel_loop3A_450, %parallel_loop3A_451] {strides = array<i32>} : memref<51x512xf32, #tpu.memory_space<vmem>>, vector<16xf32>,
      %parallel_loop3A_453 = arith.mulf %parallel_loop3A_41, %parallel_loop3A_436 : vector<16xf32>
      %parallel_loop3A_454 = arith.mulf %parallel_loop3A_44, %parallel_loop3A_452 : vector<16xf32>
      %parallel_loop3A_455 = arith.addf %parallel_loop3A_453, %parallel_loop3A_454 : vector<16xf32>
      tpu.vector_store_idx %arg7[%parallel_loop3A_448, %parallel_loop3A_23], %parallel_loop3A_455 {add = true} : memref<51x512xf32, #tpu.memory_space<vmem>>[vector<16xi32>, vector<16xi32>], vector<16xf32>,
      %parallel_loop3A_456 = arith.constant 26 : i32
      %parallel_loop3A_457 = vector.broadcast %parallel_loop3A_456 : i32 to vector<16xi32>
      %parallel_loop3A_458 = arith.addi %parallel_loop3A_39, %parallel_loop3A_457 : vector<16xi32>
      %parallel_loop3A_459 = arith.constant 0 : i32
      %parallel_loop3A_460 = arith.constant 50 : i32
      %parallel_loop3A_461 = vector.broadcast %parallel_loop3A_459 : i32 to vector<16xi32>
      %parallel_loop3A_462 = arith.maxsi %parallel_loop3A_461, %parallel_loop3A_458 : vector<16xi32>
      %parallel_loop3A_463 = vector.broadcast %parallel_loop3A_460 : i32 to vector<16xi32>
      %parallel_loop3A_464 = arith.minsi %parallel_loop3A_463, %parallel_loop3A_462 : vector<16xi32>
      %parallel_loop3A_465 = arith.constant 26 : i32
      %parallel_loop3A_466 = arith.index_cast %parallel_loop3A_465 : i32 to index
      %parallel_loop3A_467 = arith.index_cast %parallel_loop3A_21 : i32 to index
      %parallel_loop3A_468 = tpu.vector_load %arg6[%parallel_loop3A_466, %parallel_loop3A_467] {strides = array<i32>} : memref<51x512xf32, #tpu.memory_space<vmem>>, vector<16xf32>,
      %parallel_loop3A_469 = arith.mulf %parallel_loop3A_41, %parallel_loop3A_452 : vector<16xf32>
      %parallel_loop3A_470 = arith.mulf %parallel_loop3A_44, %parallel_loop3A_468 : vector<16xf32>
      %parallel_loop3A_471 = arith.addf %parallel_loop3A_469, %parallel_loop3A_470 : vector<16xf32>
      tpu.vector_store_idx %arg7[%parallel_loop3A_464, %parallel_loop3A_23], %parallel_loop3A_471 {add = true} : memref<51x512xf32, #tpu.memory_space<vmem>>[vector<16xi32>, vector<16xi32>], vector<16xf32>,
      %parallel_loop3A_472 = arith.constant 27 : i32
      %parallel_loop3A_473 = vector.broadcast %parallel_loop3A_472 : i32 to vector<16xi32>
      %parallel_loop3A_474 = arith.addi %parallel_loop3A_39, %parallel_loop3A_473 : vector<16xi32>
      %parallel_loop3A_475 = arith.constant 0 : i32
      %parallel_loop3A_476 = arith.constant 50 : i32
      %parallel_loop3A_477 = vector.broadcast %parallel_loop3A_475 : i32 to vector<16xi32>
      %parallel_loop3A_478 = arith.maxsi %parallel_loop3A_477, %parallel_loop3A_474 : vector<16xi32>
      %parallel_loop3A_479 = vector.broadcast %parallel_loop3A_476 : i32 to vector<16xi32>
      %parallel_loop3A_480 = arith.minsi %parallel_loop3A_479, %parallel_loop3A_478 : vector<16xi32>
      %parallel_loop3A_481 = arith.constant 27 : i32
      %parallel_loop3A_482 = arith.index_cast %parallel_loop3A_481 : i32 to index
      %parallel_loop3A_483 = arith.index_cast %parallel_loop3A_21 : i32 to index
      %parallel_loop3A_484 = tpu.vector_load %arg6[%parallel_loop3A_482, %parallel_loop3A_483] {strides = array<i32>} : memref<51x512xf32, #tpu.memory_space<vmem>>, vector<16xf32>,
      %parallel_loop3A_485 = arith.mulf %parallel_loop3A_41, %parallel_loop3A_468 : vector<16xf32>
      %parallel_loop3A_486 = arith.mulf %parallel_loop3A_44, %parallel_loop3A_484 : vector<16xf32>
      %parallel_loop3A_487 = arith.addf %parallel_loop3A_485, %parallel_loop3A_486 : vector<16xf32>
      tpu.vector_store_idx %arg7[%parallel_loop3A_480, %parallel_loop3A_23], %parallel_loop3A_487 {add = true} : memref<51x512xf32, #tpu.memory_space<vmem>>[vector<16xi32>, vector<16xi32>], vector<16xf32>,
      %parallel_loop3A_488 = arith.constant 28 : i32
      %parallel_loop3A_489 = vector.broadcast %parallel_loop3A_488 : i32 to vector<16xi32>
      %parallel_loop3A_490 = arith.addi %parallel_loop3A_39, %parallel_loop3A_489 : vector<16xi32>
      %parallel_loop3A_491 = arith.constant 0 : i32
      %parallel_loop3A_492 = arith.constant 50 : i32
      %parallel_loop3A_493 = vector.broadcast %parallel_loop3A_491 : i32 to vector<16xi32>
      %parallel_loop3A_494 = arith.maxsi %parallel_loop3A_493, %parallel_loop3A_490 : vector<16xi32>
      %parallel_loop3A_495 = vector.broadcast %parallel_loop3A_492 : i32 to vector<16xi32>
      %parallel_loop3A_496 = arith.minsi %parallel_loop3A_495, %parallel_loop3A_494 : vector<16xi32>
      %parallel_loop3A_497 = arith.constant 28 : i32
      %parallel_loop3A_498 = arith.index_cast %parallel_loop3A_497 : i32 to index
      %parallel_loop3A_499 = arith.index_cast %parallel_loop3A_21 : i32 to index
      %parallel_loop3A_500 = tpu.vector_load %arg6[%parallel_loop3A_498, %parallel_loop3A_499] {strides = array<i32>} : memref<51x512xf32, #tpu.memory_space<vmem>>, vector<16xf32>,
      %parallel_loop3A_501 = arith.mulf %parallel_loop3A_41, %parallel_loop3A_484 : vector<16xf32>
      %parallel_loop3A_502 = arith.mulf %parallel_loop3A_44, %parallel_loop3A_500 : vector<16xf32>
      %parallel_loop3A_503 = arith.addf %parallel_loop3A_501, %parallel_loop3A_502 : vector<16xf32>
      tpu.vector_store_idx %arg7[%parallel_loop3A_496, %parallel_loop3A_23], %parallel_loop3A_503 {add = true} : memref<51x512xf32, #tpu.memory_space<vmem>>[vector<16xi32>, vector<16xi32>], vector<16xf32>,
      %parallel_loop3A_504 = arith.constant 29 : i32
      %parallel_loop3A_505 = vector.broadcast %parallel_loop3A_504 : i32 to vector<16xi32>
      %parallel_loop3A_506 = arith.addi %parallel_loop3A_39, %parallel_loop3A_505 : vector<16xi32>
      %parallel_loop3A_507 = arith.constant 0 : i32
      %parallel_loop3A_508 = arith.constant 50 : i32
      %parallel_loop3A_509 = vector.broadcast %parallel_loop3A_507 : i32 to vector<16xi32>
      %parallel_loop3A_510 = arith.maxsi %parallel_loop3A_509, %parallel_loop3A_506 : vector<16xi32>
      %parallel_loop3A_511 = vector.broadcast %parallel_loop3A_508 : i32 to vector<16xi32>
      %parallel_loop3A_512 = arith.minsi %parallel_loop3A_511, %parallel_loop3A_510 : vector<16xi32>
      %parallel_loop3A_513 = arith.constant 29 : i32
      %parallel_loop3A_514 = arith.index_cast %parallel_loop3A_513 : i32 to index
      %parallel_loop3A_515 = arith.index_cast %parallel_loop3A_21 : i32 to index
      %parallel_loop3A_516 = tpu.vector_load %arg6[%parallel_loop3A_514, %parallel_loop3A_515] {strides = array<i32>} : memref<51x512xf32, #tpu.memory_space<vmem>>, vector<16xf32>,
      %parallel_loop3A_517 = arith.mulf %parallel_loop3A_41, %parallel_loop3A_500 : vector<16xf32>
      %parallel_loop3A_518 = arith.mulf %parallel_loop3A_44, %parallel_loop3A_516 : vector<16xf32>
      %parallel_loop3A_519 = arith.addf %parallel_loop3A_517, %parallel_loop3A_518 : vector<16xf32>
      tpu.vector_store_idx %arg7[%parallel_loop3A_512, %parallel_loop3A_23], %parallel_loop3A_519 {add = true} : memref<51x512xf32, #tpu.memory_space<vmem>>[vector<16xi32>, vector<16xi32>], vector<16xf32>,
      %parallel_loop3A_520 = arith.constant 30 : i32
      %parallel_loop3A_521 = vector.broadcast %parallel_loop3A_520 : i32 to vector<16xi32>
      %parallel_loop3A_522 = arith.addi %parallel_loop3A_39, %parallel_loop3A_521 : vector<16xi32>
      %parallel_loop3A_523 = arith.constant 0 : i32
      %parallel_loop3A_524 = arith.constant 50 : i32
      %parallel_loop3A_525 = vector.broadcast %parallel_loop3A_523 : i32 to vector<16xi32>
      %parallel_loop3A_526 = arith.maxsi %parallel_loop3A_525, %parallel_loop3A_522 : vector<16xi32>
      %parallel_loop3A_527 = vector.broadcast %parallel_loop3A_524 : i32 to vector<16xi32>
      %parallel_loop3A_528 = arith.minsi %parallel_loop3A_527, %parallel_loop3A_526 : vector<16xi32>
      %parallel_loop3A_529 = arith.constant 30 : i32
      %parallel_loop3A_530 = arith.index_cast %parallel_loop3A_529 : i32 to index
      %parallel_loop3A_531 = arith.index_cast %parallel_loop3A_21 : i32 to index
      %parallel_loop3A_532 = tpu.vector_load %arg6[%parallel_loop3A_530, %parallel_loop3A_531] {strides = array<i32>} : memref<51x512xf32, #tpu.memory_space<vmem>>, vector<16xf32>,
      %parallel_loop3A_533 = arith.mulf %parallel_loop3A_41, %parallel_loop3A_516 : vector<16xf32>
      %parallel_loop3A_534 = arith.mulf %parallel_loop3A_44, %parallel_loop3A_532 : vector<16xf32>
      %parallel_loop3A_535 = arith.addf %parallel_loop3A_533, %parallel_loop3A_534 : vector<16xf32>
      tpu.vector_store_idx %arg7[%parallel_loop3A_528, %parallel_loop3A_23], %parallel_loop3A_535 {add = true} : memref<51x512xf32, #tpu.memory_space<vmem>>[vector<16xi32>, vector<16xi32>], vector<16xf32>,
      %parallel_loop3A_536 = arith.constant 31 : i32
      %parallel_loop3A_537 = vector.broadcast %parallel_loop3A_536 : i32 to vector<16xi32>
      %parallel_loop3A_538 = arith.addi %parallel_loop3A_39, %parallel_loop3A_537 : vector<16xi32>
      %parallel_loop3A_539 = arith.constant 0 : i32
      %parallel_loop3A_540 = arith.constant 50 : i32
      %parallel_loop3A_541 = vector.broadcast %parallel_loop3A_539 : i32 to vector<16xi32>
      %parallel_loop3A_542 = arith.maxsi %parallel_loop3A_541, %parallel_loop3A_538 : vector<16xi32>
      %parallel_loop3A_543 = vector.broadcast %parallel_loop3A_540 : i32 to vector<16xi32>
      %parallel_loop3A_544 = arith.minsi %parallel_loop3A_543, %parallel_loop3A_542 : vector<16xi32>
      %parallel_loop3A_545 = arith.constant 31 : i32
      %parallel_loop3A_546 = arith.index_cast %parallel_loop3A_545 : i32 to index
      %parallel_loop3A_547 = arith.index_cast %parallel_loop3A_21 : i32 to index
      %parallel_loop3A_548 = tpu.vector_load %arg6[%parallel_loop3A_546, %parallel_loop3A_547] {strides = array<i32>} : memref<51x512xf32, #tpu.memory_space<vmem>>, vector<16xf32>,
      %parallel_loop3A_549 = arith.mulf %parallel_loop3A_41, %parallel_loop3A_532 : vector<16xf32>
      %parallel_loop3A_550 = arith.mulf %parallel_loop3A_44, %parallel_loop3A_548 : vector<16xf32>
      %parallel_loop3A_551 = arith.addf %parallel_loop3A_549, %parallel_loop3A_550 : vector<16xf32>
      tpu.vector_store_idx %arg7[%parallel_loop3A_544, %parallel_loop3A_23], %parallel_loop3A_551 {add = true} : memref<51x512xf32, #tpu.memory_space<vmem>>[vector<16xi32>, vector<16xi32>], vector<16xf32>,
      %parallel_loop3A_552 = arith.constant 32 : i32
      %parallel_loop3A_553 = vector.broadcast %parallel_loop3A_552 : i32 to vector<16xi32>
      %parallel_loop3A_554 = arith.addi %parallel_loop3A_39, %parallel_loop3A_553 : vector<16xi32>
      %parallel_loop3A_555 = arith.constant 0 : i32
      %parallel_loop3A_556 = arith.constant 50 : i32
      %parallel_loop3A_557 = vector.broadcast %parallel_loop3A_555 : i32 to vector<16xi32>
      %parallel_loop3A_558 = arith.maxsi %parallel_loop3A_557, %parallel_loop3A_554 : vector<16xi32>
      %parallel_loop3A_559 = vector.broadcast %parallel_loop3A_556 : i32 to vector<16xi32>
      %parallel_loop3A_560 = arith.minsi %parallel_loop3A_559, %parallel_loop3A_558 : vector<16xi32>
      %parallel_loop3A_561 = arith.constant 32 : i32
      %parallel_loop3A_562 = arith.index_cast %parallel_loop3A_561 : i32 to index
      %parallel_loop3A_563 = arith.index_cast %parallel_loop3A_21 : i32 to index
      %parallel_loop3A_564 = tpu.vector_load %arg6[%parallel_loop3A_562, %parallel_loop3A_563] {strides = array<i32>} : memref<51x512xf32, #tpu.memory_space<vmem>>, vector<16xf32>,
      %parallel_loop3A_565 = arith.mulf %parallel_loop3A_41, %parallel_loop3A_548 : vector<16xf32>
      %parallel_loop3A_566 = arith.mulf %parallel_loop3A_44, %parallel_loop3A_564 : vector<16xf32>
      %parallel_loop3A_567 = arith.addf %parallel_loop3A_565, %parallel_loop3A_566 : vector<16xf32>
      tpu.vector_store_idx %arg7[%parallel_loop3A_560, %parallel_loop3A_23], %parallel_loop3A_567 {add = true} : memref<51x512xf32, #tpu.memory_space<vmem>>[vector<16xi32>, vector<16xi32>], vector<16xf32>,
      %parallel_loop3A_568 = arith.constant 33 : i32
      %parallel_loop3A_569 = vector.broadcast %parallel_loop3A_568 : i32 to vector<16xi32>
      %parallel_loop3A_570 = arith.addi %parallel_loop3A_39, %parallel_loop3A_569 : vector<16xi32>
      %parallel_loop3A_571 = arith.constant 0 : i32
      %parallel_loop3A_572 = arith.constant 50 : i32
      %parallel_loop3A_573 = vector.broadcast %parallel_loop3A_571 : i32 to vector<16xi32>
      %parallel_loop3A_574 = arith.maxsi %parallel_loop3A_573, %parallel_loop3A_570 : vector<16xi32>
      %parallel_loop3A_575 = vector.broadcast %parallel_loop3A_572 : i32 to vector<16xi32>
      %parallel_loop3A_576 = arith.minsi %parallel_loop3A_575, %parallel_loop3A_574 : vector<16xi32>
      %parallel_loop3A_577 = arith.constant 33 : i32
      %parallel_loop3A_578 = arith.index_cast %parallel_loop3A_577 : i32 to index
      %parallel_loop3A_579 = arith.index_cast %parallel_loop3A_21 : i32 to index
      %parallel_loop3A_580 = tpu.vector_load %arg6[%parallel_loop3A_578, %parallel_loop3A_579] {strides = array<i32>} : memref<51x512xf32, #tpu.memory_space<vmem>>, vector<16xf32>,
      %parallel_loop3A_581 = arith.mulf %parallel_loop3A_41, %parallel_loop3A_564 : vector<16xf32>
      %parallel_loop3A_582 = arith.mulf %parallel_loop3A_44, %parallel_loop3A_580 : vector<16xf32>
      %parallel_loop3A_583 = arith.addf %parallel_loop3A_581, %parallel_loop3A_582 : vector<16xf32>
      tpu.vector_store_idx %arg7[%parallel_loop3A_576, %parallel_loop3A_23], %parallel_loop3A_583 {add = true} : memref<51x512xf32, #tpu.memory_space<vmem>>[vector<16xi32>, vector<16xi32>], vector<16xf32>,
      %parallel_loop3A_584 = arith.constant 34 : i32
      %parallel_loop3A_585 = vector.broadcast %parallel_loop3A_584 : i32 to vector<16xi32>
      %parallel_loop3A_586 = arith.addi %parallel_loop3A_39, %parallel_loop3A_585 : vector<16xi32>
      %parallel_loop3A_587 = arith.constant 0 : i32
      %parallel_loop3A_588 = arith.constant 50 : i32
      %parallel_loop3A_589 = vector.broadcast %parallel_loop3A_587 : i32 to vector<16xi32>
      %parallel_loop3A_590 = arith.maxsi %parallel_loop3A_589, %parallel_loop3A_586 : vector<16xi32>
      %parallel_loop3A_591 = vector.broadcast %parallel_loop3A_588 : i32 to vector<16xi32>
      %parallel_loop3A_592 = arith.minsi %parallel_loop3A_591, %parallel_loop3A_590 : vector<16xi32>
      %parallel_loop3A_593 = arith.constant 34 : i32
      %parallel_loop3A_594 = arith.index_cast %parallel_loop3A_593 : i32 to index
      %parallel_loop3A_595 = arith.index_cast %parallel_loop3A_21 : i32 to index
      %parallel_loop3A_596 = tpu.vector_load %arg6[%parallel_loop3A_594, %parallel_loop3A_595] {strides = array<i32>} : memref<51x512xf32, #tpu.memory_space<vmem>>, vector<16xf32>,
      %parallel_loop3A_597 = arith.mulf %parallel_loop3A_41, %parallel_loop3A_580 : vector<16xf32>
      %parallel_loop3A_598 = arith.mulf %parallel_loop3A_44, %parallel_loop3A_596 : vector<16xf32>
      %parallel_loop3A_599 = arith.addf %parallel_loop3A_597, %parallel_loop3A_598 : vector<16xf32>
      tpu.vector_store_idx %arg7[%parallel_loop3A_592, %parallel_loop3A_23], %parallel_loop3A_599 {add = true} : memref<51x512xf32, #tpu.memory_space<vmem>>[vector<16xi32>, vector<16xi32>], vector<16xf32>,
      %parallel_loop3A_600 = arith.constant 35 : i32
      %parallel_loop3A_601 = vector.broadcast %parallel_loop3A_600 : i32 to vector<16xi32>
      %parallel_loop3A_602 = arith.addi %parallel_loop3A_39, %parallel_loop3A_601 : vector<16xi32>
      %parallel_loop3A_603 = arith.constant 0 : i32
      %parallel_loop3A_604 = arith.constant 50 : i32
      %parallel_loop3A_605 = vector.broadcast %parallel_loop3A_603 : i32 to vector<16xi32>
      %parallel_loop3A_606 = arith.maxsi %parallel_loop3A_605, %parallel_loop3A_602 : vector<16xi32>
      %parallel_loop3A_607 = vector.broadcast %parallel_loop3A_604 : i32 to vector<16xi32>
      %parallel_loop3A_608 = arith.minsi %parallel_loop3A_607, %parallel_loop3A_606 : vector<16xi32>
      %parallel_loop3A_609 = arith.constant 35 : i32
      %parallel_loop3A_610 = arith.index_cast %parallel_loop3A_609 : i32 to index
      %parallel_loop3A_611 = arith.index_cast %parallel_loop3A_21 : i32 to index
      %parallel_loop3A_612 = tpu.vector_load %arg6[%parallel_loop3A_610, %parallel_loop3A_611] {strides = array<i32>} : memref<51x512xf32, #tpu.memory_space<vmem>>, vector<16xf32>,
      %parallel_loop3A_613 = arith.mulf %parallel_loop3A_41, %parallel_loop3A_596 : vector<16xf32>
      %parallel_loop3A_614 = arith.mulf %parallel_loop3A_44, %parallel_loop3A_612 : vector<16xf32>
      %parallel_loop3A_615 = arith.addf %parallel_loop3A_613, %parallel_loop3A_614 : vector<16xf32>
      tpu.vector_store_idx %arg7[%parallel_loop3A_608, %parallel_loop3A_23], %parallel_loop3A_615 {add = true} : memref<51x512xf32, #tpu.memory_space<vmem>>[vector<16xi32>, vector<16xi32>], vector<16xf32>,
      %parallel_loop3A_616 = arith.constant 36 : i32
      %parallel_loop3A_617 = vector.broadcast %parallel_loop3A_616 : i32 to vector<16xi32>
      %parallel_loop3A_618 = arith.addi %parallel_loop3A_39, %parallel_loop3A_617 : vector<16xi32>
      %parallel_loop3A_619 = arith.constant 0 : i32
      %parallel_loop3A_620 = arith.constant 50 : i32
      %parallel_loop3A_621 = vector.broadcast %parallel_loop3A_619 : i32 to vector<16xi32>
      %parallel_loop3A_622 = arith.maxsi %parallel_loop3A_621, %parallel_loop3A_618 : vector<16xi32>
      %parallel_loop3A_623 = vector.broadcast %parallel_loop3A_620 : i32 to vector<16xi32>
      %parallel_loop3A_624 = arith.minsi %parallel_loop3A_623, %parallel_loop3A_622 : vector<16xi32>
      %parallel_loop3A_625 = arith.constant 36 : i32
      %parallel_loop3A_626 = arith.index_cast %parallel_loop3A_625 : i32 to index
      %parallel_loop3A_627 = arith.index_cast %parallel_loop3A_21 : i32 to index
      %parallel_loop3A_628 = tpu.vector_load %arg6[%parallel_loop3A_626, %parallel_loop3A_627] {strides = array<i32>} : memref<51x512xf32, #tpu.memory_space<vmem>>, vector<16xf32>,
      %parallel_loop3A_629 = arith.mulf %parallel_loop3A_41, %parallel_loop3A_612 : vector<16xf32>
      %parallel_loop3A_630 = arith.mulf %parallel_loop3A_44, %parallel_loop3A_628 : vector<16xf32>
      %parallel_loop3A_631 = arith.addf %parallel_loop3A_629, %parallel_loop3A_630 : vector<16xf32>
      tpu.vector_store_idx %arg7[%parallel_loop3A_624, %parallel_loop3A_23], %parallel_loop3A_631 {add = true} : memref<51x512xf32, #tpu.memory_space<vmem>>[vector<16xi32>, vector<16xi32>], vector<16xf32>,
      %parallel_loop3A_632 = arith.constant 37 : i32
      %parallel_loop3A_633 = vector.broadcast %parallel_loop3A_632 : i32 to vector<16xi32>
      %parallel_loop3A_634 = arith.addi %parallel_loop3A_39, %parallel_loop3A_633 : vector<16xi32>
      %parallel_loop3A_635 = arith.constant 0 : i32
      %parallel_loop3A_636 = arith.constant 50 : i32
      %parallel_loop3A_637 = vector.broadcast %parallel_loop3A_635 : i32 to vector<16xi32>
      %parallel_loop3A_638 = arith.maxsi %parallel_loop3A_637, %parallel_loop3A_634 : vector<16xi32>
      %parallel_loop3A_639 = vector.broadcast %parallel_loop3A_636 : i32 to vector<16xi32>
      %parallel_loop3A_640 = arith.minsi %parallel_loop3A_639, %parallel_loop3A_638 : vector<16xi32>
      %parallel_loop3A_641 = arith.constant 37 : i32
      %parallel_loop3A_642 = arith.index_cast %parallel_loop3A_641 : i32 to index
      %parallel_loop3A_643 = arith.index_cast %parallel_loop3A_21 : i32 to index
      %parallel_loop3A_644 = tpu.vector_load %arg6[%parallel_loop3A_642, %parallel_loop3A_643] {strides = array<i32>} : memref<51x512xf32, #tpu.memory_space<vmem>>, vector<16xf32>,
      %parallel_loop3A_645 = arith.mulf %parallel_loop3A_41, %parallel_loop3A_628 : vector<16xf32>
      %parallel_loop3A_646 = arith.mulf %parallel_loop3A_44, %parallel_loop3A_644 : vector<16xf32>
      %parallel_loop3A_647 = arith.addf %parallel_loop3A_645, %parallel_loop3A_646 : vector<16xf32>
      tpu.vector_store_idx %arg7[%parallel_loop3A_640, %parallel_loop3A_23], %parallel_loop3A_647 {add = true} : memref<51x512xf32, #tpu.memory_space<vmem>>[vector<16xi32>, vector<16xi32>], vector<16xf32>,
      %parallel_loop3A_648 = arith.constant 38 : i32
      %parallel_loop3A_649 = vector.broadcast %parallel_loop3A_648 : i32 to vector<16xi32>
      %parallel_loop3A_650 = arith.addi %parallel_loop3A_39, %parallel_loop3A_649 : vector<16xi32>
      %parallel_loop3A_651 = arith.constant 0 : i32
      %parallel_loop3A_652 = arith.constant 50 : i32
      %parallel_loop3A_653 = vector.broadcast %parallel_loop3A_651 : i32 to vector<16xi32>
      %parallel_loop3A_654 = arith.maxsi %parallel_loop3A_653, %parallel_loop3A_650 : vector<16xi32>
      %parallel_loop3A_655 = vector.broadcast %parallel_loop3A_652 : i32 to vector<16xi32>
      %parallel_loop3A_656 = arith.minsi %parallel_loop3A_655, %parallel_loop3A_654 : vector<16xi32>
      %parallel_loop3A_657 = arith.constant 38 : i32
      %parallel_loop3A_658 = arith.index_cast %parallel_loop3A_657 : i32 to index
      %parallel_loop3A_659 = arith.index_cast %parallel_loop3A_21 : i32 to index
      %parallel_loop3A_660 = tpu.vector_load %arg6[%parallel_loop3A_658, %parallel_loop3A_659] {strides = array<i32>} : memref<51x512xf32, #tpu.memory_space<vmem>>, vector<16xf32>,
      %parallel_loop3A_661 = arith.mulf %parallel_loop3A_41, %parallel_loop3A_644 : vector<16xf32>
      %parallel_loop3A_662 = arith.mulf %parallel_loop3A_44, %parallel_loop3A_660 : vector<16xf32>
      %parallel_loop3A_663 = arith.addf %parallel_loop3A_661, %parallel_loop3A_662 : vector<16xf32>
      tpu.vector_store_idx %arg7[%parallel_loop3A_656, %parallel_loop3A_23], %parallel_loop3A_663 {add = true} : memref<51x512xf32, #tpu.memory_space<vmem>>[vector<16xi32>, vector<16xi32>], vector<16xf32>,
      %parallel_loop3A_664 = arith.constant 39 : i32
      %parallel_loop3A_665 = vector.broadcast %parallel_loop3A_664 : i32 to vector<16xi32>
      %parallel_loop3A_666 = arith.addi %parallel_loop3A_39, %parallel_loop3A_665 : vector<16xi32>
      %parallel_loop3A_667 = arith.constant 0 : i32
      %parallel_loop3A_668 = arith.constant 50 : i32
      %parallel_loop3A_669 = vector.broadcast %parallel_loop3A_667 : i32 to vector<16xi32>
      %parallel_loop3A_670 = arith.maxsi %parallel_loop3A_669, %parallel_loop3A_666 : vector<16xi32>
      %parallel_loop3A_671 = vector.broadcast %parallel_loop3A_668 : i32 to vector<16xi32>
      %parallel_loop3A_672 = arith.minsi %parallel_loop3A_671, %parallel_loop3A_670 : vector<16xi32>
      %parallel_loop3A_673 = arith.constant 39 : i32
      %parallel_loop3A_674 = arith.index_cast %parallel_loop3A_673 : i32 to index
      %parallel_loop3A_675 = arith.index_cast %parallel_loop3A_21 : i32 to index
      %parallel_loop3A_676 = tpu.vector_load %arg6[%parallel_loop3A_674, %parallel_loop3A_675] {strides = array<i32>} : memref<51x512xf32, #tpu.memory_space<vmem>>, vector<16xf32>,
      %parallel_loop3A_677 = arith.mulf %parallel_loop3A_41, %parallel_loop3A_660 : vector<16xf32>
      %parallel_loop3A_678 = arith.mulf %parallel_loop3A_44, %parallel_loop3A_676 : vector<16xf32>
      %parallel_loop3A_679 = arith.addf %parallel_loop3A_677, %parallel_loop3A_678 : vector<16xf32>
      tpu.vector_store_idx %arg7[%parallel_loop3A_672, %parallel_loop3A_23], %parallel_loop3A_679 {add = true} : memref<51x512xf32, #tpu.memory_space<vmem>>[vector<16xi32>, vector<16xi32>], vector<16xf32>,
      %parallel_loop3A_680 = arith.constant 40 : i32
      %parallel_loop3A_681 = vector.broadcast %parallel_loop3A_680 : i32 to vector<16xi32>
      %parallel_loop3A_682 = arith.addi %parallel_loop3A_39, %parallel_loop3A_681 : vector<16xi32>
      %parallel_loop3A_683 = arith.constant 0 : i32
      %parallel_loop3A_684 = arith.constant 50 : i32
      %parallel_loop3A_685 = vector.broadcast %parallel_loop3A_683 : i32 to vector<16xi32>
      %parallel_loop3A_686 = arith.maxsi %parallel_loop3A_685, %parallel_loop3A_682 : vector<16xi32>
      %parallel_loop3A_687 = vector.broadcast %parallel_loop3A_684 : i32 to vector<16xi32>
      %parallel_loop3A_688 = arith.minsi %parallel_loop3A_687, %parallel_loop3A_686 : vector<16xi32>
      %parallel_loop3A_689 = arith.constant 40 : i32
      %parallel_loop3A_690 = arith.index_cast %parallel_loop3A_689 : i32 to index
      %parallel_loop3A_691 = arith.index_cast %parallel_loop3A_21 : i32 to index
      %parallel_loop3A_692 = tpu.vector_load %arg6[%parallel_loop3A_690, %parallel_loop3A_691] {strides = array<i32>} : memref<51x512xf32, #tpu.memory_space<vmem>>, vector<16xf32>,
      %parallel_loop3A_693 = arith.mulf %parallel_loop3A_41, %parallel_loop3A_676 : vector<16xf32>
      %parallel_loop3A_694 = arith.mulf %parallel_loop3A_44, %parallel_loop3A_692 : vector<16xf32>
      %parallel_loop3A_695 = arith.addf %parallel_loop3A_693, %parallel_loop3A_694 : vector<16xf32>
      tpu.vector_store_idx %arg7[%parallel_loop3A_688, %parallel_loop3A_23], %parallel_loop3A_695 {add = true} : memref<51x512xf32, #tpu.memory_space<vmem>>[vector<16xi32>, vector<16xi32>], vector<16xf32>,
      %parallel_loop3A_696 = arith.constant 41 : i32
      %parallel_loop3A_697 = vector.broadcast %parallel_loop3A_696 : i32 to vector<16xi32>
      %parallel_loop3A_698 = arith.addi %parallel_loop3A_39, %parallel_loop3A_697 : vector<16xi32>
      %parallel_loop3A_699 = arith.constant 0 : i32
      %parallel_loop3A_700 = arith.constant 50 : i32
      %parallel_loop3A_701 = vector.broadcast %parallel_loop3A_699 : i32 to vector<16xi32>
      %parallel_loop3A_702 = arith.maxsi %parallel_loop3A_701, %parallel_loop3A_698 : vector<16xi32>
      %parallel_loop3A_703 = vector.broadcast %parallel_loop3A_700 : i32 to vector<16xi32>
      %parallel_loop3A_704 = arith.minsi %parallel_loop3A_703, %parallel_loop3A_702 : vector<16xi32>
      %parallel_loop3A_705 = arith.constant 41 : i32
      %parallel_loop3A_706 = arith.index_cast %parallel_loop3A_705 : i32 to index
      %parallel_loop3A_707 = arith.index_cast %parallel_loop3A_21 : i32 to index
      %parallel_loop3A_708 = tpu.vector_load %arg6[%parallel_loop3A_706, %parallel_loop3A_707] {strides = array<i32>} : memref<51x512xf32, #tpu.memory_space<vmem>>, vector<16xf32>,
      %parallel_loop3A_709 = arith.mulf %parallel_loop3A_41, %parallel_loop3A_692 : vector<16xf32>
      %parallel_loop3A_710 = arith.mulf %parallel_loop3A_44, %parallel_loop3A_708 : vector<16xf32>
      %parallel_loop3A_711 = arith.addf %parallel_loop3A_709, %parallel_loop3A_710 : vector<16xf32>
      tpu.vector_store_idx %arg7[%parallel_loop3A_704, %parallel_loop3A_23], %parallel_loop3A_711 {add = true} : memref<51x512xf32, #tpu.memory_space<vmem>>[vector<16xi32>, vector<16xi32>], vector<16xf32>,
      %parallel_loop3A_712 = arith.constant 42 : i32
      %parallel_loop3A_713 = vector.broadcast %parallel_loop3A_712 : i32 to vector<16xi32>
      %parallel_loop3A_714 = arith.addi %parallel_loop3A_39, %parallel_loop3A_713 : vector<16xi32>
      %parallel_loop3A_715 = arith.constant 0 : i32
      %parallel_loop3A_716 = arith.constant 50 : i32
      %parallel_loop3A_717 = vector.broadcast %parallel_loop3A_715 : i32 to vector<16xi32>
      %parallel_loop3A_718 = arith.maxsi %parallel_loop3A_717, %parallel_loop3A_714 : vector<16xi32>
      %parallel_loop3A_719 = vector.broadcast %parallel_loop3A_716 : i32 to vector<16xi32>
      %parallel_loop3A_720 = arith.minsi %parallel_loop3A_719, %parallel_loop3A_718 : vector<16xi32>
      %parallel_loop3A_721 = arith.constant 42 : i32
      %parallel_loop3A_722 = arith.index_cast %parallel_loop3A_721 : i32 to index
      %parallel_loop3A_723 = arith.index_cast %parallel_loop3A_21 : i32 to index
      %parallel_loop3A_724 = tpu.vector_load %arg6[%parallel_loop3A_722, %parallel_loop3A_723] {strides = array<i32>} : memref<51x512xf32, #tpu.memory_space<vmem>>, vector<16xf32>,
      %parallel_loop3A_725 = arith.mulf %parallel_loop3A_41, %parallel_loop3A_708 : vector<16xf32>
      %parallel_loop3A_726 = arith.mulf %parallel_loop3A_44, %parallel_loop3A_724 : vector<16xf32>
      %parallel_loop3A_727 = arith.addf %parallel_loop3A_725, %parallel_loop3A_726 : vector<16xf32>
      tpu.vector_store_idx %arg7[%parallel_loop3A_720, %parallel_loop3A_23], %parallel_loop3A_727 {add = true} : memref<51x512xf32, #tpu.memory_space<vmem>>[vector<16xi32>, vector<16xi32>], vector<16xf32>,
      %parallel_loop3A_728 = arith.constant 43 : i32
      %parallel_loop3A_729 = vector.broadcast %parallel_loop3A_728 : i32 to vector<16xi32>
      %parallel_loop3A_730 = arith.addi %parallel_loop3A_39, %parallel_loop3A_729 : vector<16xi32>
      %parallel_loop3A_731 = arith.constant 0 : i32
      %parallel_loop3A_732 = arith.constant 50 : i32
      %parallel_loop3A_733 = vector.broadcast %parallel_loop3A_731 : i32 to vector<16xi32>
      %parallel_loop3A_734 = arith.maxsi %parallel_loop3A_733, %parallel_loop3A_730 : vector<16xi32>
      %parallel_loop3A_735 = vector.broadcast %parallel_loop3A_732 : i32 to vector<16xi32>
      %parallel_loop3A_736 = arith.minsi %parallel_loop3A_735, %parallel_loop3A_734 : vector<16xi32>
      %parallel_loop3A_737 = arith.constant 43 : i32
      %parallel_loop3A_738 = arith.index_cast %parallel_loop3A_737 : i32 to index
      %parallel_loop3A_739 = arith.index_cast %parallel_loop3A_21 : i32 to index
      %parallel_loop3A_740 = tpu.vector_load %arg6[%parallel_loop3A_738, %parallel_loop3A_739] {strides = array<i32>} : memref<51x512xf32, #tpu.memory_space<vmem>>, vector<16xf32>,
      %parallel_loop3A_741 = arith.mulf %parallel_loop3A_41, %parallel_loop3A_724 : vector<16xf32>
      %parallel_loop3A_742 = arith.mulf %parallel_loop3A_44, %parallel_loop3A_740 : vector<16xf32>
      %parallel_loop3A_743 = arith.addf %parallel_loop3A_741, %parallel_loop3A_742 : vector<16xf32>
      tpu.vector_store_idx %arg7[%parallel_loop3A_736, %parallel_loop3A_23], %parallel_loop3A_743 {add = true} : memref<51x512xf32, #tpu.memory_space<vmem>>[vector<16xi32>, vector<16xi32>], vector<16xf32>,
      %parallel_loop3A_744 = arith.constant 44 : i32
      %parallel_loop3A_745 = vector.broadcast %parallel_loop3A_744 : i32 to vector<16xi32>
      %parallel_loop3A_746 = arith.addi %parallel_loop3A_39, %parallel_loop3A_745 : vector<16xi32>
      %parallel_loop3A_747 = arith.constant 0 : i32
      %parallel_loop3A_748 = arith.constant 50 : i32
      %parallel_loop3A_749 = vector.broadcast %parallel_loop3A_747 : i32 to vector<16xi32>
      %parallel_loop3A_750 = arith.maxsi %parallel_loop3A_749, %parallel_loop3A_746 : vector<16xi32>
      %parallel_loop3A_751 = vector.broadcast %parallel_loop3A_748 : i32 to vector<16xi32>
      %parallel_loop3A_752 = arith.minsi %parallel_loop3A_751, %parallel_loop3A_750 : vector<16xi32>
      %parallel_loop3A_753 = arith.constant 44 : i32
      %parallel_loop3A_754 = arith.index_cast %parallel_loop3A_753 : i32 to index
      %parallel_loop3A_755 = arith.index_cast %parallel_loop3A_21 : i32 to index
      %parallel_loop3A_756 = tpu.vector_load %arg6[%parallel_loop3A_754, %parallel_loop3A_755] {strides = array<i32>} : memref<51x512xf32, #tpu.memory_space<vmem>>, vector<16xf32>,
      %parallel_loop3A_757 = arith.mulf %parallel_loop3A_41, %parallel_loop3A_740 : vector<16xf32>
      %parallel_loop3A_758 = arith.mulf %parallel_loop3A_44, %parallel_loop3A_756 : vector<16xf32>
      %parallel_loop3A_759 = arith.addf %parallel_loop3A_757, %parallel_loop3A_758 : vector<16xf32>
      tpu.vector_store_idx %arg7[%parallel_loop3A_752, %parallel_loop3A_23], %parallel_loop3A_759 {add = true} : memref<51x512xf32, #tpu.memory_space<vmem>>[vector<16xi32>, vector<16xi32>], vector<16xf32>,
      %parallel_loop3A_760 = arith.constant 45 : i32
      %parallel_loop3A_761 = vector.broadcast %parallel_loop3A_760 : i32 to vector<16xi32>
      %parallel_loop3A_762 = arith.addi %parallel_loop3A_39, %parallel_loop3A_761 : vector<16xi32>
      %parallel_loop3A_763 = arith.constant 0 : i32
      %parallel_loop3A_764 = arith.constant 50 : i32
      %parallel_loop3A_765 = vector.broadcast %parallel_loop3A_763 : i32 to vector<16xi32>
      %parallel_loop3A_766 = arith.maxsi %parallel_loop3A_765, %parallel_loop3A_762 : vector<16xi32>
      %parallel_loop3A_767 = vector.broadcast %parallel_loop3A_764 : i32 to vector<16xi32>
      %parallel_loop3A_768 = arith.minsi %parallel_loop3A_767, %parallel_loop3A_766 : vector<16xi32>
      %parallel_loop3A_769 = arith.constant 45 : i32
      %parallel_loop3A_770 = arith.index_cast %parallel_loop3A_769 : i32 to index
      %parallel_loop3A_771 = arith.index_cast %parallel_loop3A_21 : i32 to index
      %parallel_loop3A_772 = tpu.vector_load %arg6[%parallel_loop3A_770, %parallel_loop3A_771] {strides = array<i32>} : memref<51x512xf32, #tpu.memory_space<vmem>>, vector<16xf32>,
      %parallel_loop3A_773 = arith.mulf %parallel_loop3A_41, %parallel_loop3A_756 : vector<16xf32>
      %parallel_loop3A_774 = arith.mulf %parallel_loop3A_44, %parallel_loop3A_772 : vector<16xf32>
      %parallel_loop3A_775 = arith.addf %parallel_loop3A_773, %parallel_loop3A_774 : vector<16xf32>
      tpu.vector_store_idx %arg7[%parallel_loop3A_768, %parallel_loop3A_23], %parallel_loop3A_775 {add = true} : memref<51x512xf32, #tpu.memory_space<vmem>>[vector<16xi32>, vector<16xi32>], vector<16xf32>,
      %parallel_loop3A_776 = arith.constant 46 : i32
      %parallel_loop3A_777 = vector.broadcast %parallel_loop3A_776 : i32 to vector<16xi32>
      %parallel_loop3A_778 = arith.addi %parallel_loop3A_39, %parallel_loop3A_777 : vector<16xi32>
      %parallel_loop3A_779 = arith.constant 0 : i32
      %parallel_loop3A_780 = arith.constant 50 : i32
      %parallel_loop3A_781 = vector.broadcast %parallel_loop3A_779 : i32 to vector<16xi32>
      %parallel_loop3A_782 = arith.maxsi %parallel_loop3A_781, %parallel_loop3A_778 : vector<16xi32>
      %parallel_loop3A_783 = vector.broadcast %parallel_loop3A_780 : i32 to vector<16xi32>
      %parallel_loop3A_784 = arith.minsi %parallel_loop3A_783, %parallel_loop3A_782 : vector<16xi32>
      %parallel_loop3A_785 = arith.constant 46 : i32
      %parallel_loop3A_786 = arith.index_cast %parallel_loop3A_785 : i32 to index
      %parallel_loop3A_787 = arith.index_cast %parallel_loop3A_21 : i32 to index
      %parallel_loop3A_788 = tpu.vector_load %arg6[%parallel_loop3A_786, %parallel_loop3A_787] {strides = array<i32>} : memref<51x512xf32, #tpu.memory_space<vmem>>, vector<16xf32>,
      %parallel_loop3A_789 = arith.mulf %parallel_loop3A_41, %parallel_loop3A_772 : vector<16xf32>
      %parallel_loop3A_790 = arith.mulf %parallel_loop3A_44, %parallel_loop3A_788 : vector<16xf32>
      %parallel_loop3A_791 = arith.addf %parallel_loop3A_789, %parallel_loop3A_790 : vector<16xf32>
      tpu.vector_store_idx %arg7[%parallel_loop3A_784, %parallel_loop3A_23], %parallel_loop3A_791 {add = true} : memref<51x512xf32, #tpu.memory_space<vmem>>[vector<16xi32>, vector<16xi32>], vector<16xf32>,
      %parallel_loop3A_792 = arith.constant 47 : i32
      %parallel_loop3A_793 = vector.broadcast %parallel_loop3A_792 : i32 to vector<16xi32>
      %parallel_loop3A_794 = arith.addi %parallel_loop3A_39, %parallel_loop3A_793 : vector<16xi32>
      %parallel_loop3A_795 = arith.constant 0 : i32
      %parallel_loop3A_796 = arith.constant 50 : i32
      %parallel_loop3A_797 = vector.broadcast %parallel_loop3A_795 : i32 to vector<16xi32>
      %parallel_loop3A_798 = arith.maxsi %parallel_loop3A_797, %parallel_loop3A_794 : vector<16xi32>
      %parallel_loop3A_799 = vector.broadcast %parallel_loop3A_796 : i32 to vector<16xi32>
      %parallel_loop3A_800 = arith.minsi %parallel_loop3A_799, %parallel_loop3A_798 : vector<16xi32>
      %parallel_loop3A_801 = arith.constant 47 : i32
      %parallel_loop3A_802 = arith.index_cast %parallel_loop3A_801 : i32 to index
      %parallel_loop3A_803 = arith.index_cast %parallel_loop3A_21 : i32 to index
      %parallel_loop3A_804 = tpu.vector_load %arg6[%parallel_loop3A_802, %parallel_loop3A_803] {strides = array<i32>} : memref<51x512xf32, #tpu.memory_space<vmem>>, vector<16xf32>,
      %parallel_loop3A_805 = arith.mulf %parallel_loop3A_41, %parallel_loop3A_788 : vector<16xf32>
      %parallel_loop3A_806 = arith.mulf %parallel_loop3A_44, %parallel_loop3A_804 : vector<16xf32>
      %parallel_loop3A_807 = arith.addf %parallel_loop3A_805, %parallel_loop3A_806 : vector<16xf32>
      tpu.vector_store_idx %arg7[%parallel_loop3A_800, %parallel_loop3A_23], %parallel_loop3A_807 {add = true} : memref<51x512xf32, #tpu.memory_space<vmem>>[vector<16xi32>, vector<16xi32>], vector<16xf32>,
      %parallel_loop3A_808 = arith.constant 48 : i32
      %parallel_loop3A_809 = vector.broadcast %parallel_loop3A_808 : i32 to vector<16xi32>
      %parallel_loop3A_810 = arith.addi %parallel_loop3A_39, %parallel_loop3A_809 : vector<16xi32>
      %parallel_loop3A_811 = arith.constant 0 : i32
      %parallel_loop3A_812 = arith.constant 50 : i32
      %parallel_loop3A_813 = vector.broadcast %parallel_loop3A_811 : i32 to vector<16xi32>
      %parallel_loop3A_814 = arith.maxsi %parallel_loop3A_813, %parallel_loop3A_810 : vector<16xi32>
      %parallel_loop3A_815 = vector.broadcast %parallel_loop3A_812 : i32 to vector<16xi32>
      %parallel_loop3A_816 = arith.minsi %parallel_loop3A_815, %parallel_loop3A_814 : vector<16xi32>
      %parallel_loop3A_817 = arith.constant 48 : i32
      %parallel_loop3A_818 = arith.index_cast %parallel_loop3A_817 : i32 to index
      %parallel_loop3A_819 = arith.index_cast %parallel_loop3A_21 : i32 to index
      %parallel_loop3A_820 = tpu.vector_load %arg6[%parallel_loop3A_818, %parallel_loop3A_819] {strides = array<i32>} : memref<51x512xf32, #tpu.memory_space<vmem>>, vector<16xf32>,
      %parallel_loop3A_821 = arith.mulf %parallel_loop3A_41, %parallel_loop3A_804 : vector<16xf32>
      %parallel_loop3A_822 = arith.mulf %parallel_loop3A_44, %parallel_loop3A_820 : vector<16xf32>
      %parallel_loop3A_823 = arith.addf %parallel_loop3A_821, %parallel_loop3A_822 : vector<16xf32>
      tpu.vector_store_idx %arg7[%parallel_loop3A_816, %parallel_loop3A_23], %parallel_loop3A_823 {add = true} : memref<51x512xf32, #tpu.memory_space<vmem>>[vector<16xi32>, vector<16xi32>], vector<16xf32>,
      %parallel_loop3A_824 = arith.constant 49 : i32
      %parallel_loop3A_825 = vector.broadcast %parallel_loop3A_824 : i32 to vector<16xi32>
      %parallel_loop3A_826 = arith.addi %parallel_loop3A_39, %parallel_loop3A_825 : vector<16xi32>
      %parallel_loop3A_827 = arith.constant 0 : i32
      %parallel_loop3A_828 = arith.constant 50 : i32
      %parallel_loop3A_829 = vector.broadcast %parallel_loop3A_827 : i32 to vector<16xi32>
      %parallel_loop3A_830 = arith.maxsi %parallel_loop3A_829, %parallel_loop3A_826 : vector<16xi32>
      %parallel_loop3A_831 = vector.broadcast %parallel_loop3A_828 : i32 to vector<16xi32>
      %parallel_loop3A_832 = arith.minsi %parallel_loop3A_831, %parallel_loop3A_830 : vector<16xi32>
      %parallel_loop3A_833 = arith.constant 49 : i32
      %parallel_loop3A_834 = arith.index_cast %parallel_loop3A_833 : i32 to index
      %parallel_loop3A_835 = arith.index_cast %parallel_loop3A_21 : i32 to index
      %parallel_loop3A_836 = tpu.vector_load %arg6[%parallel_loop3A_834, %parallel_loop3A_835] {strides = array<i32>} : memref<51x512xf32, #tpu.memory_space<vmem>>, vector<16xf32>,
      %parallel_loop3A_837 = arith.mulf %parallel_loop3A_41, %parallel_loop3A_820 : vector<16xf32>
      %parallel_loop3A_838 = arith.mulf %parallel_loop3A_44, %parallel_loop3A_836 : vector<16xf32>
      %parallel_loop3A_839 = arith.addf %parallel_loop3A_837, %parallel_loop3A_838 : vector<16xf32>
      tpu.vector_store_idx %arg7[%parallel_loop3A_832, %parallel_loop3A_23], %parallel_loop3A_839 {add = true} : memref<51x512xf32, #tpu.memory_space<vmem>>[vector<16xi32>, vector<16xi32>], vector<16xf32>,
      %parallel_loop3A_840 = arith.constant 50 : i32
      %parallel_loop3A_841 = vector.broadcast %parallel_loop3A_840 : i32 to vector<16xi32>
      %parallel_loop3A_842 = arith.addi %parallel_loop3A_39, %parallel_loop3A_841 : vector<16xi32>
      %parallel_loop3A_843 = arith.constant 0 : i32
      %parallel_loop3A_844 = arith.constant 50 : i32
      %parallel_loop3A_845 = vector.broadcast %parallel_loop3A_843 : i32 to vector<16xi32>
      %parallel_loop3A_846 = arith.maxsi %parallel_loop3A_845, %parallel_loop3A_842 : vector<16xi32>
      %parallel_loop3A_847 = vector.broadcast %parallel_loop3A_844 : i32 to vector<16xi32>
      %parallel_loop3A_848 = arith.minsi %parallel_loop3A_847, %parallel_loop3A_846 : vector<16xi32>
      %parallel_loop3A_849 = arith.constant 50 : i32
      %parallel_loop3A_850 = arith.index_cast %parallel_loop3A_849 : i32 to index
      %parallel_loop3A_851 = arith.index_cast %parallel_loop3A_21 : i32 to index
      %parallel_loop3A_852 = tpu.vector_load %arg6[%parallel_loop3A_850, %parallel_loop3A_851] {strides = array<i32>} : memref<51x512xf32, #tpu.memory_space<vmem>>, vector<16xf32>,
      %parallel_loop3A_853 = arith.mulf %parallel_loop3A_41, %parallel_loop3A_836 : vector<16xf32>
      %parallel_loop3A_854 = arith.mulf %parallel_loop3A_44, %parallel_loop3A_852 : vector<16xf32>
      %parallel_loop3A_855 = arith.addf %parallel_loop3A_853, %parallel_loop3A_854 : vector<16xf32>
      tpu.vector_store_idx %arg7[%parallel_loop3A_848, %parallel_loop3A_23], %parallel_loop3A_855 {add = true} : memref<51x512xf32, #tpu.memory_space<vmem>>[vector<16xi32>, vector<16xi32>], vector<16xf32>,
      %parallel_loop3A_856 = arith.constant 51 : i32
      %parallel_loop3A_857 = vector.broadcast %parallel_loop3A_856 : i32 to vector<16xi32>
      %parallel_loop3A_858 = arith.addi %parallel_loop3A_39, %parallel_loop3A_857 : vector<16xi32>
      %parallel_loop3A_859 = arith.constant 0 : i32
      %parallel_loop3A_860 = arith.constant 50 : i32
      %parallel_loop3A_861 = vector.broadcast %parallel_loop3A_859 : i32 to vector<16xi32>
      %parallel_loop3A_862 = arith.maxsi %parallel_loop3A_861, %parallel_loop3A_858 : vector<16xi32>
      %parallel_loop3A_863 = vector.broadcast %parallel_loop3A_860 : i32 to vector<16xi32>
      %parallel_loop3A_864 = arith.minsi %parallel_loop3A_863, %parallel_loop3A_862 : vector<16xi32>
      %parallel_loop3A_865 = arith.mulf %parallel_loop3A_41, %parallel_loop3A_852 : vector<16xf32>
      tpu.vector_store_idx %arg7[%parallel_loop3A_864, %parallel_loop3A_23], %parallel_loop3A_865 {add = true} : memref<51x512xf32, #tpu.memory_space<vmem>>[vector<16xi32>, vector<16xi32>], vector<16xf32>,
    } {sc.loop_unroll_factor = 2 : i64, sc.parallel_access}
    "tpu.region"() ({
      %run_scoped3A = tpu.sem_alloc : memref<!tpu.dma_semaphore, #tpu.memory_space<semaphore_mem>>
      %dma_start3A_19 = arith.constant 0 : i32
      %dma_start3A_20 = tpu.memref_slice %arg4[%dma_start3A_19, %mul3A_2] : memref<51x16384xf32, #tpu.memory_space<hbm>> -> memref<51x512xf32, #tpu.memory_space<hbm>>
      %dma_start3A_21 = arith.constant 0 : i32
      %dma_start3A_22 = tpu.memref_slice %arg4[%dma_start3A_21, %mul3A_2] : memref<51x16384xf32, #tpu.memory_space<hbm>> -> memref<51x512xf32, #tpu.memory_space<hbm>>
      tpu.enqueue_dma source(%arg7 : memref<51x512xf32, #tpu.memory_space<vmem>>) target(%dma_start3A_22 : memref<51x512xf32, #tpu.memory_space<hbm>>) target_semaphore(%run_scoped3A : memref<!tpu.dma_semaphore, #tpu.memory_space<semaphore_mem>>)
      %dma_wait3A_23 = arith.constant 0 : i32
      %dma_wait3A_24 = tpu.memref_slice %arg4[%dma_wait3A_23, %mul3A_2] : memref<51x16384xf32, #tpu.memory_space<hbm>> -> memref<51x512xf32, #tpu.memory_space<hbm>>
      %dma_wait3A_25 = arith.constant 0 : i32
      %dma_wait3A_26 = tpu.memref_slice %arg4[%dma_wait3A_25, %mul3A_2] : memref<51x16384xf32, #tpu.memory_space<hbm>> -> memref<51x512xf32, #tpu.memory_space<hbm>>
      tpu.wait_dma2 semaphore(%run_scoped3A : memref<!tpu.dma_semaphore, #tpu.memory_space<semaphore_mem>>) src(%arg7 : memref<51x512xf32, #tpu.memory_space<vmem>>) dst(%dma_wait3A_26 : memref<51x512xf32, #tpu.memory_space<hbm>>)
      tpu.yield
    }) : () -> ()
    return
  }
}

</mosaic_0001>

<sc_bundles>
// kernel: kernel.3.cloned.1.call-start
scs
__scs_entry_jumppad:
0x0: {  	(pc) =	sbr.rel $0x88, $3  }
0x1: {  	(tag) =	ssettag $0x0;
	lr =	simm.s32 $0x1  }
0x2: {  	[smem:$0x3F9F] =	sst lr;
	_ =	strace $0xD0000000  }
0x3: {  	_ = 	snop  }
0x4: {  	_ = 	snop  }
0x5: {  	_ = 	snop  }
0x6: {  	_ = 	snop  }
0x7: {  	_ = 	snop  }
__scs_overlays_trampoline_lowered:
0x8: {  	[smem:$0x3FAE] =	sst s0  }
0x9: {  	[smem:$0x3FAF] =	sst s1  }
0xa: {  	[smem:$0x3FB0] =	sst s2  }
0xb: {  	[smem:$0x3FB1] =	sst s3  }
0xc: {  	[smem:$0x3FB2] =	sst s4  }
0xd: {  	[smem:$0x3FB3] =	sst s5  }
0xe: {  	[smem:$0x3FB4] =	sst s6  }
0xf: {  	[smem:$0x3FB5] =	sst s7  }
0x10: {  	[smem:$0x3FB6] =	sst s8  }
0x11: {  	[smem:$0x3FB7] =	sst s9;
	s0 =	simm.s32 @!p0 $0x0  }
0x12: {  	s1 =	sld [smem:$0x3F9D];
	s0 =	simm.s32 @p0 $0x1  }
0x13: {  	[smem:$0x3FB8] =	sst s0;
	s0 =	simm.s32 @!p1 $0x0  }
0x14: {  	s2 =	sld [smem:$0x3F9C];
	s0 =	simm.s32 @p1 $0x1  }
0x15: {  	[smem:$0x3FB9] =	sst s0;
	s0 =	simm.s32 @!p2 $0x0  }
0x16: {  	s3 =	sld [smem:$0x3FDB];
	s0 =	simm.s32 @p2 $0x1  }
0x17: {  	s4 =	simm.s32 $0x1BF5;
	[smem:$0x3FBB] =	sst s0  }
0x18: {  	s0 =	sld [smem:$0x3F9E];
	_ =	swait.ge [sflag:s4], $0x0  }
0x19: {  	s7 =	sld [smem:$0x3F9F]  }
0x1a: {  	s8 =	sadd.s32 $0xFFFFE003, lr  }
0x1b: {  	s9 =	sadd.s32 $0xFFFFFEF7, lr;
	s5 =	simm.s32 $0xFFFFFFFF;
	p2 =	slt.u32 s8, $0xFFFFF086  }
0x1c: {  	p1 =	slt.u32 s9, $0xF7A;
	s5 =	simm.s32 @!p2 $0x0  }
0x1d: {  	s5 =	simm.s32 @p1 $0x1;
	p0 =	seq.s32 s7, s2  }
0x1e: {  	s7 =	smul.u32 @!p0 $0xF7A, s2;
	p2 =	seq.s32 @!p0 s5, $0x0  }
0x1f: {  	s9 =	smul.u32 $0xF7A, s1;
	s8 =	simm.s32 @!p0 $0x1BF5;
	p2 =	por !p2, p0  }
0x20: {  	[sflag:s8] =	ssyncset.s32 @!p0 $0xFFFFF086;
	s6 =	sadd.s32 @!p0 s3, s7;
	s7 =	simm.s32 @!p0 $0x108  }
0x21: {  	s3 =	sadd.s32 s3, s9;
	s6 =	sadd.s32 @!p0 $0x88, s6;
	s7 =	simm.s32 @p2 $0x1082  }
0x22: {  	[simem:s7], [sflag:s8] =	dma.local @!p0 [hbm:s6], $0xF7A  }
0x23: {  	s9 =	sor.u32 $0xD0000000, s2;
	s6 =	simm.s32 $0x108;
	_ =	swait.ge @!p0 [sflag:s8], $0x0  }
0x24: {  	s3 =	sadd.s32 $0x88, s3;
	s6 =	simm.s32 @!p1 $0x1082;
	[sflag:s4] =	ssyncset.s32 $0xFFFFF086  }
0x25: {  	[simem:s6], [sflag:s4] =	dma.local [hbm:s3], $0xF7A  }
0x26: {  	[smem:$0x3F9F] =	sst s1;
	(tag) =	ssettag s2;
	_ =	strace s9  }
0x27: {  	s1 =	sld [smem:$0x3FAF]  }
0x28: {  	s2 =	sld [smem:$0x3FB0]  }
0x29: {  	s4 =	sld [smem:$0x3FB2]  }
0x2a: {  	p0 =	seq.s32 s5, $0x0;
	s5 =	sld [smem:$0x3FB3]  }
0x2b: {  	s6 =	sld [smem:$0x3FB4]  }
0x2c: {  	s7 =	sld [smem:$0x3FB5]  }
0x2d: {  	s3 =	simm.s32 $0x108;
	s8 =	sld [smem:$0x3FB6]  }
0x2e: {  	s3 =	simm.s32 @!p0 $0x1082;
	s9 =	sld [smem:$0x3FB7]  }
0x2f: {  	lr =	sadd.s32 s0, s3;
	s0 =	sld [smem:$0x3FAE]  }
0x30: {  	s3 =	sld [smem:$0x3FB1]  }
0x31: {  	[smem:$0x3FBA] =	sst s10  }
0x32: {  	s10 =	sld [smem:$0x3FB8];
	_ =	sdelay $0x3  }
0x33: {  	p0 =	seq.s32 s10, $0x1;
	s10 =	sld [smem:$0x3FBA];
	_ =	sdelay $0x3  }
0x34: {  	[smem:$0x3FBA] =	sst s10  }
0x35: {  	s10 =	sld [smem:$0x3FB9];
	_ =	sdelay $0x3  }
0x36: {  	p1 =	seq.s32 s10, $0x1;
	s10 =	sld [smem:$0x3FBA];
	_ =	sdelay $0x3  }
0x37: {  	[smem:$0x3FBA] =	sst s10  }
0x38: {  	s10 =	sld [smem:$0x3FBB]  }
0x39: {  	_ = 	snop;
	(pc) =	sbr.ind lr, $3  }
0x3a: {  	_ = 	snop  }
0x3b: {  	_ = 	snop  }
0x3c: {  	p2 =	seq.s32 s10, $0x1;
	s10 =	sld [smem:$0x3FBA]  }
0x3d: {  	_ =	shalt  }
0x3e: {  	_ =	shalt  }
0x3f: {  	_ =	shalt  }
0x40: {  	_ =	shalt  }
0x41: {  	_ =	shalt  }
0x42: {  	_ =	shalt  }
0x43: {  	_ =	shalt  }
0x44: {  	_ =	shalt  }
0x45: {  	_ =	shalt  }
0x46: {  	_ =	shalt  }
0x47: {  	_ =	shalt  }
0x48: {  	_ =	shalt  }
0x49: {  	_ =	shalt  }
0x4a: {  	_ =	shalt  }
0x4b: {  	_ =	shalt  }
0x4c: {  	_ =	shalt  }
0x4d: {  	_ =	shalt  }
0x4e: {  	_ =	shalt  }
0x4f: {  	_ =	shalt  }
0x50: {  	_ =	shalt  }
0x51: {  	_ =	shalt  }
0x52: {  	_ =	shalt  }
0x53: {  	_ =	shalt  }
0x54: {  	_ =	shalt  }
0x55: {  	_ =	shalt  }
0x56: {  	_ =	shalt  }
0x57: {  	_ =	shalt  }
0x58: {  	_ =	shalt  }
0x59: {  	_ =	shalt  }
0x5a: {  	_ =	shalt  }
0x5b: {  	_ =	shalt  }
0x5c: {  	_ =	shalt  }
0x5d: {  	_ =	shalt  }
0x5e: {  	_ =	shalt  }
0x5f: {  	_ =	shalt  }
0x60: {  	_ =	shalt  }
0x61: {  	_ =	shalt  }
0x62: {  	_ =	shalt  }
0x63: {  	_ =	shalt  }
0x64: {  	_ =	shalt  }
0x65: {  	_ =	shalt  }
0x66: {  	_ =	shalt  }
0x67: {  	_ =	shalt  }
0x68: {  	_ =	shalt  }
0x69: {  	_ =	shalt  }
0x6a: {  	_ =	shalt  }
0x6b: {  	_ =	shalt  }
0x6c: {  	_ =	shalt  }
0x6d: {  	_ =	shalt  }
0x6e: {  	_ =	shalt  }
0x6f: {  	_ =	shalt  }
0x70: {  	_ =	shalt  }
0x71: {  	_ =	shalt  }
0x72: {  	_ =	shalt  }
0x73: {  	_ =	shalt  }
0x74: {  	_ =	shalt  }
0x75: {  	_ =	shalt  }
0x76: {  	_ =	shalt  }
0x77: {  	_ =	shalt  }
0x78: {  	_ =	shalt  }
0x79: {  	_ =	shalt  }
0x7a: {  	_ =	shalt  }
0x7b: {  	_ =	shalt  }
0x7c: {  	_ =	shalt  }
0x7d: {  	_ =	shalt  }
0x7e: {  	_ =	shalt  }
0x7f: {  	_ =	shalt  }
0x80: {  	_ =	shalt  }
0x81: {  	_ =	shalt  }
0x82: {  	_ =	shalt  }
0x83: {  	_ =	shalt  }
0x84: {  	_ =	shalt  }
0x85: {  	_ =	shalt  }
0x86: {  	_ =	shalt  }
0x87: {  	_ =	shalt  }
.Lfunc_end0:
.L_simem_size_0:
called_computation_lowered:
.L_overlay_start_0:
0x88: {  	s2 =	sld [smem:$0x3FD9]  }
0x89: {  	s3 =	sld [smem:$0x3FFE];
	_ =	sdelay $0x1  }
0x8a: {  	s1 =	srdreg.scid  }
0x8b: {  	s0 =	sand.u32 $0x1, s1  }
0x8c: {  	s18 =	sshll.u32 s0, $0xA;
	s2 =	sadd.s32 s3, s2  }
0x8d: {  	s2 =	sadd.s32 s2, s18  }
0x8e: {  	[smem:$0x3FC6] =	sst s2  }
0x8f: {  	_ = 	snop  }
0x90: {  	s2 =	sld [smem:$0x3FC9]  }
0x91: {  	s19 =	sld [smem:$0x3FC8]  }
0x92: {  	s4 =	sld [smem:$0x3FD0];
	(tm) =	ssettm $0x1  }
0x93: {  	s5 =	sld [smem:$0x3FFB];
	_ =	sdelay $0x3  }
0x94: {  	_ =	strace s5  }
0x95: {  	s5 =	sld [smem:$0x3FFC];
	_ =	sdelay $0x3  }
0x96: {  	_ =	strace s5  }
0x97: {  	s5 =	sld [smem:$0x3FFD];
	_ =	sdelay $0x3  }
0x98: {  	_ =	strace s5  }
0x99: {  	_ =	strace $0x8FFFFFFF  }
0x9a: {  	s20 =	sld [smem:$0x3FDB];
	_ =	sdelay $0x1  }
0x9b: {  	s6 =	simm.s32 $_scs_section_size  }
0x9c: {  	s7 =	simm.s32 $_size__tile_overlayer_lowered;
	s8 =	simm.s32 $_tile_overlayer_lowered  }
0x9d: {  	s23 =	simm.s32 $0x1BFF;
	s22 =	sshll.u32 s8, $0x1;
	s5 =	sadd.s32 s6, s20  }
0x9e: {  	s9 =	simm.s32 $0x0;
	s21 =	sshll.u32 s7, $0x1;
	s7 =	sadd.s32 s22, s5  }
0x9f: {  	[timem:s9], [sflag:s23] =	dma.local [hbm:s7], s21  }
0xa0: {  	_ =	swait.ge [sflag:s23], s21  }
0xa1: {  	s6 =	ssub.s32 $0x0, s21;
	[sflag:s23] =	ssyncset.done $0x0  }
0xa2: {  	[sflag:s23] =	ssyncadd.s32 s6;
	_ =	sdelay $0x1  }
0xa3: {  	s24 =	simm.s32 $0x1B8B  }
0xa4: {  	_ =	swait.ge [sflag:s24], $0x1  }
0xa5: {  	[sflag:s24] =	ssyncset.done $0x0  }
0xa6: {  	s25 =	simm.s32 $0x1B8E;
	[sflag:s24] =	ssyncadd.s32 $0xFFFFFFFF  }
0xa7: {  	s26 =	simm.s32 $execute0_lowered;
	[smem:$0x3FD2] =	sst s25  }
0xa8: {  	s6 =	sshll.u32 s26, $0x1;
	_ =	strace $0x80000046;
	[dreg:$0x1] =	wrdreg $0xFFFFFFFF  }
0xa9: {  	s28 =	simm.s32 $_size_execute0_lowered;
	s5 =	sadd.s32 s5, s6;
	[dreg:$0x0] =	wrdreg $0x0  }
0xaa: {  	s6 =	sshll.u32 s28, $0x1;
	[dreg:$0x2] =	wrdreg s5  }
0xab: {  	[dreg:$0x3] =	wrdreg s6  }
0xac: {  	[dreg:$0x4] =	wrdreg $0xC0  }
0xad: {  	_ =	task [dreg:s9], $0x5FFFF  }
0xae: {  	[dreg:$0x1] =	wrdreg $0xFFFFFFFF  }
0xaf: {  	[dreg:$0x0] =	wrdreg $0x60  }
0xb0: {  	[dreg:$0x2] =	wrdreg s2  }
0xb1: {  	[dreg:$0x3] =	wrdreg s19  }
0xb2: {  	[dreg:$0x4] =	wrdreg s4  }
0xb3: {  	[dreg:$0x5] =	wrdreg $0x9  }
0xb4: {  	_ =	task.clear_ibuf [dreg:s9], $0x6FFFF;
	_ =	strace $0x90000046  }
0xb5: {  	s29 =	simm.s32 $0x9;
	_ =	strace $0x80000048  }
0xb6: {  	_ =	swait.ge [sflag:s29], $0x1  }
0xb7: {  	[sflag:s29] =	ssyncadd.s32 $0xFFFFFFFF  }
0xb8: {  	_ =	strace $0x90000048  }
0xb9: {  	_ =	sfence  }
0xba: {  	s30 =	sld [smem:$0x0];
	_ =	sdelay $0x2  }
0xbb: {  	s31 =	sshll.u32 s1, $0xD;
	s1 =	sshrl.u32 s1, $0x2  }
0xbc: {  	s3 =	sand.u32 $0x4000, s31;
	s1 =	sadd.s32 s1, s30  }
0xbd: {  	s0 =	sor.u32 s3, s0;
	s1 =	sshll.u32 s1, $0x11  }
0xbe: {  	s0 =	sor.u32 s1, s0  }
0xbf: {  	s0 =	sadd.s32 $0x8F2B, s0  }
0xc0: {  	[sflag:s0] =	ssyncadd.remote.s32 $0x1  }
0xc1: {  	_ =	sfence.sel $0xFFFF  }
0xc2: {  	[dreg:$0x0] =	wrdreg $0xFFFFFFFF;
	(pc) =	sbr.abs _section_cstart, $3  }
0xc3: {  	[dreg:$0x1] =	wrdreg $0xFFFFFFFF  }
0xc4: {  	_ =	task.clear_ibuf [dreg:s9], $0x2FFFF;
	_ =	strace $0x9FFFFFFF  }
0xc5: {  	(tm) =	ssettm $0x7FFFFFFF  }
tec
execute0_lowered:
.L_overlay_start_1:
0x0: {  	(tag) =	ssettag $0x1  }
0x1: {  	s3 =	rddreg [dreg:$0x0]  }
0x2: {  	s4 =	rddreg [dreg:$0x1]  }
0x3: {  	s5 =	rddreg [dreg:$0x2];
	s2 =	srdreg.scid  }
0x4: {  	s0 =	rddreg [dreg:$0x3];
	s1 =	stileid.u32;
	s10 =	simm.s32 $0x1  }
0x5: {  	s11 =	simm.s32 $0x7200;
	s12 =	simm.s32 $0x2;
	s13 =	simm.s32 $0x0  }
0x6: {  	s6 =	sand.u32 $0x1, s2;
	s2 =	simm.s32 $0x0;
	s7 =	sshll.u32 s1, $0xA  }
0x7: {  	s8 =	sshll.u32 s6, $0x9;
	[smem:$0x7FF] =	sst s2;
	s6 =	ssub.s32 $0x2, s6  }
0x8: {  	s7 =	sor.u32 s8, s7;
	_ =	strace $0x80000047;
	s31 =	sshrl.u32 s6, $0x1  }
0x9: {  	s8 =	simm.s32 $0x20000;
	s9 =	sshrl.u32 s7, $0x3;
	s6 =	ssub.s32 s6, s31  }
0xa: {  	s4 =	sadd.s32 s4, s7;
	s5 =	sadd.s32 s5, s7;
	s7 =	simm.s32 $0x1000  }
0xb: {  	v0 =	vimm.f32 $0.0e+00;
	v1 =	vlaneseq.u32;
	v2 =	vimm.s32 $0x0;
	s3 =	sadd.s32 s3, s9;
	s6 =	smax.u32 s6, $0x1;
	s9 =	simm.s32 $0x200  }
.LBB2_1:
0xc: {  	[tilespmem:s2], [sflag:$0x1] =	stream.linear.gather [hbm4b:s3+s2], $0x200, $0x38;
	[tilespmem:$0xE200] =	vst v63  }
0xd: {  	s14 =	sand.u32 $0x7000, s2;
	s15 =	sand.u32 $0x300, s2  }
0xe: {  	s14 =	sor.u32 s15, s14  }
0xf: {  	[tilespmem:s9], [sflag:$0x1] =	stream.strided.gather [hbm4b:s4+s7], $0x7000, s8, s7, $0x38;
	[tilespmem:$0xE200] =	vst v63  }
0x10: {  	[tilespmem:s14+$0x7280] =	vst v0  }
0x11: {  	[tilespmem:s14+$0x7290] =	vst v0  }
0x12: {  	[tilespmem:s14+$0x72A0] =	vst v0  }
0x13: {  	[tilespmem:s14+$0x72B0] =	vst v0  }
0x14: {  	[tilespmem:s14+$0x72C0] =	vst v0  }
0x15: {  	[tilespmem:s14+$0x72D0] =	vst v0  }
0x16: {  	[tilespmem:s14+$0x72E0] =	vst v0  }
0x17: {  	[tilespmem:s14+$0x72F0] =	vst v0  }
0x18: {  	[tilespmem:s14+$0x7680] =	vst v0  }
0x19: {  	[tilespmem:s14+$0x7690] =	vst v0  }
0x1a: {  	[tilespmem:s14+$0x76A0] =	vst v0  }
0x1b: {  	[tilespmem:s14+$0x76B0] =	vst v0  }
0x1c: {  	[tilespmem:s14+$0x76C0] =	vst v0  }
0x1d: {  	[tilespmem:s14+$0x76D0] =	vst v0  }
0x1e: {  	[tilespmem:s14+$0x76E0] =	vst v0  }
0x1f: {  	[tilespmem:s14+$0x76F0] =	vst v0  }
0x20: {  	[tilespmem:s14+$0x7A80] =	vst v0  }
0x21: {  	[tilespmem:s14+$0x7A90] =	vst v0  }
0x22: {  	[tilespmem:s14+$0x7AA0] =	vst v0  }
0x23: {  	[tilespmem:s14+$0x7AB0] =	vst v0  }
0x24: {  	[tilespmem:s14+$0x7AC0] =	vst v0  }
0x25: {  	[tilespmem:s14+$0x7AD0] =	vst v0  }
0x26: {  	[tilespmem:s14+$0x7AE0] =	vst v0  }
0x27: {  	[tilespmem:s14+$0x7AF0] =	vst v0  }
0x28: {  	[tilespmem:s14+$0x7200] =	vst v0  }
0x29: {  	[tilespmem:s14+$0x7210] =	vst v0  }
0x2a: {  	[tilespmem:s14+$0x7220] =	vst v0  }
0x2b: {  	[tilespmem:s14+$0x7230] =	vst v0  }
0x2c: {  	[tilespmem:s14+$0x7240] =	vst v0  }
0x2d: {  	[tilespmem:s14+$0x7250] =	vst v0  }
0x2e: {  	[tilespmem:s14+$0x7260] =	vst v0  }
0x2f: {  	[tilespmem:s14+$0x7270] =	vst v0  }
0x30: {  	[tilespmem:s14+$0x7600] =	vst v0  }
0x31: {  	[tilespmem:s14+$0x7610] =	vst v0  }
0x32: {  	[tilespmem:s14+$0x7620] =	vst v0  }
0x33: {  	[tilespmem:s14+$0x7630] =	vst v0  }
0x34: {  	[tilespmem:s14+$0x7640] =	vst v0  }
0x35: {  	[tilespmem:s14+$0x7650] =	vst v0  }
0x36: {  	[tilespmem:s14+$0x7660] =	vst v0  }
0x37: {  	[tilespmem:s14+$0x7670] =	vst v0  }
0x38: {  	s19 =	sand.u32 $0x3, s2;
	[tilespmem:s14+$0x7A00] =	vst v0  }
0x39: {  	s15 =	sshll.u32 s19, $0x8;
	[tilespmem:s14+$0x7A10] =	vst v0  }
0x3a: {  	s15 =	sadd.s32 $0x0, s15;
	[tilespmem:s14+$0x7A20] =	vst v0  }
0x3b: {  	s16 =	sadd.s32 $0x80, s15;
	s26 =	sor.u32 $0xC00, s15;
	[tilespmem:s14+$0x7A30] =	vst v0  }
0x3c: {  	s17 =	sor.u32 $0xC00, s16;
	[tilespmem:s26+$0x7200] =	vst v0  }
0x3d: {  	[tilespmem:s17+$0x7200] =	vst v0  }
0x3e: {  	[tilespmem:s14+$0x7A40] =	vst v0  }
0x3f: {  	[tilespmem:s14+$0x7A50] =	vst v0  }
0x40: {  	[tilespmem:s14+$0x7A60] =	vst v0  }
0x41: {  	s20 =	sor.u32 $0xC10, s16;
	[tilespmem:s14+$0x7A70] =	vst v0  }
0x42: {  	s28 =	sor.u32 $0xC10, s15;
	[tilespmem:s20+$0x7200] =	vst v0  }
0x43: {  	s21 =	sor.u32 $0xC20, s16;
	[tilespmem:s28+$0x7200] =	vst v0  }
0x44: {  	s29 =	sor.u32 $0xC20, s15;
	[tilespmem:s21+$0x7200] =	vst v0  }
0x45: {  	s22 =	sor.u32 $0xC30, s16;
	[tilespmem:s29+$0x7200] =	vst v0  }
0x46: {  	s30 =	sor.u32 $0xC30, s15;
	[tilespmem:s22+$0x7200] =	vst v0  }
0x47: {  	s23 =	sor.u32 $0xC40, s16;
	[tilespmem:s30+$0x7200] =	vst v0  }
0x48: {  	s31 =	sor.u32 $0xC40, s15;
	[tilespmem:s23+$0x7200] =	vst v0  }
0x49: {  	s24 =	sor.u32 $0xC50, s16;
	[tilespmem:s31+$0x7200] =	vst v0  }
0x4a: {  	s18 =	sor.u32 $0xC50, s15;
	[tilespmem:s24+$0x7200] =	vst v0  }
0x4b: {  	s19 =	sor.u32 $0xC70, s15;
	s25 =	sor.u32 $0xC60, s16;
	[tilespmem:s18+$0x7200] =	vst v0  }
0x4c: {  	s16 =	sor.u32 $0xC70, s16;
	s14 =	simm.s32 $0x0;
	s17 =	simm.s32 $0x0;
	[tilespmem:s25+$0x7200] =	vst v0  }
0x4d: {  	s20 =	sor.u32 $0xC60, s15;
	s15 =	simm.s32 $0x100;
	[tilespmem:s16+$0x7200] =	vst v0;
	s16 =	simm.s32 $0x400  }
.LBB2_2:
0x4e: {  	s18 =	sand.u32 $0x7000, s16;
	s21 =	sand.u32 $0x300, s15;
	[tilespmem:s20+$0x7200] =	vst v0  }
0x4f: {  	s18 =	sor.u32 s21, s18;
	[tilespmem:s19+$0x7200] =	vst v0  }
0x50: {  	[tilespmem:s18+$0x7280] =	vst v0  }
0x51: {  	[tilespmem:s18+$0x7290] =	vst v0  }
0x52: {  	[tilespmem:s18+$0x72A0] =	vst v0  }
0x53: {  	[tilespmem:s18+$0x72B0] =	vst v0  }
0x54: {  	[tilespmem:s18+$0x72C0] =	vst v0  }
0x55: {  	[tilespmem:s18+$0x72D0] =	vst v0  }
0x56: {  	[tilespmem:s18+$0x72E0] =	vst v0  }
0x57: {  	[tilespmem:s18+$0x72F0] =	vst v0  }
0x58: {  	[tilespmem:s18+$0x7680] =	vst v0  }
0x59: {  	[tilespmem:s18+$0x7690] =	vst v0  }
0x5a: {  	[tilespmem:s18+$0x76A0] =	vst v0  }
0x5b: {  	[tilespmem:s18+$0x76B0] =	vst v0  }
0x5c: {  	[tilespmem:s18+$0x76C0] =	vst v0  }
0x5d: {  	[tilespmem:s18+$0x76D0] =	vst v0  }
0x5e: {  	[tilespmem:s18+$0x76E0] =	vst v0  }
0x5f: {  	[tilespmem:s18+$0x76F0] =	vst v0  }
0x60: {  	[tilespmem:s18+$0x7A80] =	vst v0  }
0x61: {  	[tilespmem:s18+$0x7A90] =	vst v0  }
0x62: {  	s17 =	sadd.s32 $0x1, s17;
	[tilespmem:s18+$0x7AA0] =	vst v0  }
0x63: {  	s19 =	sand.u32 $0x3, s17;
	[tilespmem:s18+$0x7AB0] =	vst v0  }
0x64: {  	s19 =	sshll.u32 s19, $0x8;
	[tilespmem:s18+$0x7AC0] =	vst v0  }
0x65: {  	s19 =	sadd.s32 s19, s16;
	[tilespmem:s18+$0x7AD0] =	vst v0  }
0x66: {  	s26 =	sor.u32 $0xC00, s19;
	s21 =	sor.u32 $0xC10, s19;
	s28 =	sadd.s32 $0x80, s19;
	[tilespmem:s18+$0x7AE0] =	vst v0  }
0x67: {  	s23 =	sor.u32 $0xC20, s19;
	s22 =	sor.u32 $0xC30, s19;
	s20 =	sor.u32 $0xC00, s28;
	[tilespmem:s18+$0x7AF0] =	vst v0  }
0x68: {  	s25 =	sor.u32 $0xC40, s19;
	s24 =	sor.u32 $0xC50, s19;
	s29 =	sor.u32 $0xC10, s28;
	[tilespmem:s20+$0x7200] =	vst v0  }
0x69: {  	s20 =	sor.u32 $0xC60, s19;
	s19 =	sor.u32 $0xC70, s19;
	[tilespmem:s29+$0x7200] =	vst v0;
	s29 =	sor.u32 $0xC20, s28  }
0x6a: {  	s14 =	sadd.s32 $0x2, s14;
	[tilespmem:s29+$0x7200] =	vst v0;
	s29 =	sor.u32 $0xC30, s28  }
0x6b: {  	p0 =	slt.u32 s14, $0x30;
	[tilespmem:s29+$0x7200] =	vst v0;
	s29 =	sor.u32 $0xC40, s28  }
0x6c: {  	[tilespmem:s29+$0x7200] =	vst v0;
	s29 =	sor.u32 $0xC50, s28  }
0x6d: {  	[tilespmem:s29+$0x7200] =	vst v0;
	s29 =	sor.u32 $0xC60, s28  }
0x6e: {  	s28 =	sor.u32 $0xC70, s28;
	[tilespmem:s29+$0x7200] =	vst v0  }
0x6f: {  	[tilespmem:s28+$0x7200] =	vst v0  }
0x70: {  	[tilespmem:s18+$0x7200] =	vst v0  }
0x71: {  	[tilespmem:s18+$0x7210] =	vst v0  }
0x72: {  	[tilespmem:s18+$0x7220] =	vst v0  }
0x73: {  	[tilespmem:s18+$0x7230] =	vst v0  }
0x74: {  	[tilespmem:s18+$0x7240] =	vst v0  }
0x75: {  	[tilespmem:s18+$0x7250] =	vst v0  }
0x76: {  	[tilespmem:s18+$0x7260] =	vst v0  }
0x77: {  	[tilespmem:s18+$0x7270] =	vst v0  }
0x78: {  	[tilespmem:s18+$0x7600] =	vst v0  }
0x79: {  	[tilespmem:s18+$0x7610] =	vst v0  }
0x7a: {  	[tilespmem:s18+$0x7620] =	vst v0  }
0x7b: {  	[tilespmem:s18+$0x7630] =	vst v0  }
0x7c: {  	[tilespmem:s18+$0x7640] =	vst v0  }
0x7d: {  	[tilespmem:s18+$0x7650] =	vst v0  }
0x7e: {  	[tilespmem:s18+$0x7660] =	vst v0  }
0x7f: {  	[tilespmem:s18+$0x7670] =	vst v0  }
0x80: {  	[tilespmem:s18+$0x7A00] =	vst v0  }
0x81: {  	[tilespmem:s18+$0x7A10] =	vst v0  }
0x82: {  	[tilespmem:s18+$0x7A20] =	vst v0  }
0x83: {  	[tilespmem:s18+$0x7A30] =	vst v0  }
0x84: {  	[tilespmem:s26+$0x7200] =	vst v0  }
0x85: {  	[tilespmem:s18+$0x7A40] =	vst v0  }
0x86: {  	[tilespmem:s18+$0x7A50] =	vst v0  }
0x87: {  	[tilespmem:s18+$0x7A60] =	vst v0  }
0x88: {  	[tilespmem:s18+$0x7A70] =	vst v0  }
.Ltmp0:
0x89: {  	[tilespmem:s21+$0x7200] =	vst v0;
	(pc) =	sbr.rel @p0 .LBB2_2-.Ltmp0, $4  }
0x8a: {  	[tilespmem:s23+$0x7200] =	vst v0  }
0x8b: {  	[tilespmem:s22+$0x7200] =	vst v0  }
0x8c: {  	[tilespmem:s25+$0x7200] =	vst v0  }
0x8d: {  	s15 =	sadd.s32 $0x100, s15;
	s16 =	sadd.s32 $0x400, s16;
	[tilespmem:s24+$0x7200] =	vst v0  }
0x8e: {  	[tilespmem:s20+$0x7200] =	vst v0  }
0x8f: {  	[tilespmem:s19+$0x7200] =	vst v0  }
0x90: {  	[tilespmem:$0xD300] =	vst v0  }
0x91: {  	[tilespmem:$0xD310] =	vst v0  }
0x92: {  	[tilespmem:$0xD320] =	vst v0  }
0x93: {  	[tilespmem:$0xD330] =	vst v0  }
0x94: {  	[tilespmem:$0xD340] =	vst v0  }
0x95: {  	[tilespmem:$0xD350] =	vst v0  }
0x96: {  	[tilespmem:$0xD360] =	vst v0  }
0x97: {  	[tilespmem:$0xD370] =	vst v0  }
0x98: {  	[tilespmem:$0xD700] =	vst v0  }
0x99: {  	[tilespmem:$0xD710] =	vst v0  }
0x9a: {  	[tilespmem:$0xD720] =	vst v0  }
0x9b: {  	[tilespmem:$0xD730] =	vst v0  }
0x9c: {  	[tilespmem:$0xD740] =	vst v0  }
0x9d: {  	[tilespmem:$0xD750] =	vst v0  }
0x9e: {  	[tilespmem:$0xD760] =	vst v0  }
0x9f: {  	[tilespmem:$0xD770] =	vst v0  }
0xa0: {  	[tilespmem:$0xDB00] =	vst v0  }
0xa1: {  	[tilespmem:$0xDB10] =	vst v0  }
0xa2: {  	[tilespmem:$0xDB20] =	vst v0  }
0xa3: {  	[tilespmem:$0xDB30] =	vst v0  }
0xa4: {  	[tilespmem:$0xDB40] =	vst v0  }
0xa5: {  	[tilespmem:$0xDB50] =	vst v0  }
0xa6: {  	[tilespmem:$0xDB60] =	vst v0  }
0xa7: {  	[tilespmem:$0xDB70] =	vst v0  }
0xa8: {  	[tilespmem:$0xDF00] =	vst v0  }
0xa9: {  	[tilespmem:$0xDF10] =	vst v0  }
0xaa: {  	[tilespmem:$0xDF20] =	vst v0  }
0xab: {  	[tilespmem:$0xDF30] =	vst v0  }
0xac: {  	[tilespmem:$0xDF40] =	vst v0  }
0xad: {  	[tilespmem:$0xDF50] =	vst v0  }
0xae: {  	[tilespmem:$0xDF60] =	vst v0  }
0xaf: {  	[tilespmem:$0xDF70] =	vst v0  }
0xb0: {  	_ =	swait.ge [sflag:s10], $0x200  }
0xb1: {  	[sflag:s10] =	ssyncset.done $0x0  }
0xb2: {  	[sflag:s10] =	ssyncadd.s32 $0xFFFFFE00  }
0xb3: {  	s14 =	simm.s32 $0xFFFFFFFE;
	s15 =	simm.s32 $0x0;
	_ =	swait.ge [sflag:s10], $0x7000  }
0xb4: {  	s16 =	simm.s32 $0x10;
	s17 =	simm.s32 $0x0;
	[sflag:s10] =	ssyncset.done $0x0  }
0xb5: {  	s18 =	simm.s32 $0x0;
	s19 =	simm.s32 $0x0;
	[sflag:s10] =	ssyncadd.s32 $0xFFFF9000  }
.LBB2_4:
0xb6: {  	v3 =	vld [tilespmem:s16+$0xFFFFFFF0];
	_ =	sdelay $0x4  }
0xb7: {  	v3 =	vmul.f32 $2.500000000e+00, v3;
	_ =	sdelay $0x1  }
0xb8: {  	v3 =	vmax.f32 v3, $-5.200000000e+01  }
0xb9: {  	v3 =	vmin.f32 v3, $5.200000000e+01  }
0xba: {  	v4 =	vtrunc.f32 v3  }
0xbb: {  	v5 =	vcvt.f32.s32 v4;
	vm0 =	vlt.f32 v3, v4  }
0xbc: {  	v4 =	vsel vm0, $0xFFFFFFFF, v2  }
0xbd: {  	v7 =	vadd.s32 v5, v4  }
0xbe: {  	vm7 =	vgt.s32 v7, $0x0  }
0xbf: {  	v4 =	vnsel vm7, $0x0, v7  }
0xc0: {  	v46 =	vmov s15;
	s21 =	sand.u32 $0xC00, s19;
	v4 =	vmin.u32 v4, $0x32  }
0xc1: {  	s20 =	sand.u32 $0x60, s15;
	s24 =	sor.u32 $0x200, s21;
	v5 =	vshll.u32 v46, $0x3;
	v6 =	vshll.u32 v4, $0x9;
	v4 =	vshll.u32 v4, $0x7  }
0xc2: {  	s25 =	sor.u32 s20, s24;
	v8 =	vcvt.s32.f32 v7;
	v9 =	vand.u32 $0x7000, v6;
	v4 =	vand.u32 $0x380, v4  }
0xc3: {  	v10 =	vor.u32 s15, v1;
	v11 =	vld [tilespmem:s25+$0x0];
	v6 =	vand.u32 $0xC00, v5;
	v47 =	vor.u32 v9, v4  }
0xc4: {  	v3 =	vsub.f32 v3, v8;
	v4 =	vand.u32 $0x6F, v10;
	v5 =	vor.u32 v6, v47  }
0xc5: {  	v48 =	vor.u32 v4, v5  }
0xc6: {  	v5 =	vsub.f32 $1.000000000e+00, v3  }
0xc7: {  	v49 =	vadd.s32 $0x1, v7  }
0xc8: {  	vm8 =	vgt.s32 v49, $0x0;
	v50 =	vmul.f32 v5, v11  }
0xc9: {  	v54 =	vld [tilespmem:s16+$0x0];
	v9 =	vnsel vm8, $0x0, v49  }
0xca: {  	v51 =	vmin.u32 v9, $0x32;
	[tilespmem:v48+s11+$0x0] =	vst.idx.add.f32.msk $0xffff, v50  }
0xcb: {  	v53 =	vshll.u32 v51, $0x9;
	v8 =	vshll.u32 v51, $0x7;
	v52 =	vld [tilespmem:s25+$0x80]  }
0xcc: {  	v10 =	vand.u32 $0x7000, v53;
	v8 =	vand.u32 $0x380, v8  }
0xcd: {  	v8 =	vor.u32 v10, v8  }
0xce: {  	v8 =	vor.u32 v6, v8  }
0xcf: {  	v10 =	vmul.f32 $2.500000000e+00, v54;
	v8 =	vor.u32 v4, v8  }
0xd0: {  	v11 =	vmul.f32 v3, v11;
	v12 =	vmul.f32 v5, v52  }
0xd1: {  	v55 =	vadd.s32 $0x2, v7;
	v10 =	vmax.f32 v10, $-5.200000000e+01  }
0xd2: {  	vm9 =	vgt.s32 v55, $0x0;
	v10 =	vmin.f32 v10, $5.200000000e+01;
	v11 =	vadd.f32 v12, v11  }
0xd3: {  	v56 =	vnsel vm9, $0x0, v55;
	v58 =	vtrunc.f32 v10  }
0xd4: {  	v14 =	vcvt.f32.s32 v58;
	[tilespmem:v8+s11+$0x0] =	vst.idx.add.f32.msk $0xffff, v11;
	v8 =	vmin.u32 v56, $0x32  }
0xd5: {  	vm10 =	vlt.f32 v10, v58;
	v57 =	vshll.u32 v8, $0x9;
	v8 =	vshll.u32 v8, $0x7  }
0xd6: {  	v12 =	vsel vm10, $0xFFFFFFFF, v2;
	v11 =	vand.u32 $0x7000, v57;
	v8 =	vand.u32 $0x380, v8  }
0xd7: {  	s23 =	sadd.s32 $0x10, s15;
	v8 =	vor.u32 v11, v8;
	v11 =	vadd.s32 v14, v12  }
0xd8: {  	v62 =	vmov s23;
	v13 =	vld [tilespmem:s25+$0x100];
	vm11 =	vgt.s32 v11, $0x0  }
0xd9: {  	v19 =	vor.u32 s23, v1;
	v8 =	vor.u32 v6, v8;
	v61 =	vnsel vm11, $0x0, v11  }
0xda: {  	v9 =	vshll.u32 v62, $0x3;
	v60 =	vor.u32 v4, v8;
	v8 =	vmin.u32 v61, $0x32  }
0xdb: {  	s22 =	sand.u32 $0x70, s23;
	v9 =	vand.u32 $0xC00, v9;
	v18 =	vshll.u32 v8, $0x9;
	v8 =	vshll.u32 v8, $0x7  }
0xdc: {  	s24 =	sor.u32 s22, s24;
	v17 =	vcvt.s32.f32 v11;
	v18 =	vand.u32 $0x7000, v18;
	v8 =	vand.u32 $0x380, v8  }
0xdd: {  	v20 =	vld [tilespmem:s24+$0x0];
	v15 =	vmul.f32 v3, v52;
	v59 =	vmul.f32 v5, v13;
	v18 =	vor.u32 v18, v8  }
0xde: {  	v8 =	vsub.f32 v10, v17;
	v10 =	vand.u32 $0x7F, v19;
	v63 =	vor.u32 v9, v18  }
0xdf: {  	v16 =	vadd.s32 $0x3, v7;
	v22 =	vor.u32 v10, v63  }
0xe0: {  	vm12 =	vgt.s32 v16, $0x0;
	v15 =	vadd.f32 v59, v15;
	v12 =	vsub.f32 $1.000000000e+00, v8  }
0xe1: {  	v21 =	vnsel vm12, $0x0, v16;
	v25 =	vadd.s32 $0x1, v11  }
0xe2: {  	v23 =	vmin.u32 v21, $0x32;
	vm13 =	vgt.s32 v25, $0x0;
	[tilespmem:v60+s11+$0x0] =	vst.idx.add.f32.msk $0xffff, v15;
	v27 =	vmul.f32 v12, v20  }
0xe3: {  	v24 =	vshll.u32 v23, $0x9;
	v17 =	vshll.u32 v23, $0x7;
	v15 =	vnsel vm13, $0x0, v25;
	v26 =	vld [tilespmem:s25+$0x180]  }
0xe4: {  	v14 =	vand.u32 $0x7000, v24;
	v17 =	vand.u32 $0x380, v17;
	v15 =	vmin.u32 v15, $0x32;
	[tilespmem:v22+s11+$0x0] =	vst.idx.add.f32.msk $0xffff, v27  }
0xe5: {  	v14 =	vor.u32 v14, v17;
	v28 =	vshll.u32 v15, $0x9;
	v15 =	vshll.u32 v15, $0x7;
	v16 =	vld [tilespmem:s24+$0x80]  }
0xe6: {  	v14 =	vor.u32 v6, v14;
	v17 =	vand.u32 $0x7000, v28;
	v15 =	vand.u32 $0x380, v15  }
0xe7: {  	v21 =	vadd.s32 $0x4, v7;
	v14 =	vor.u32 v4, v14;
	v15 =	vor.u32 v17, v15  }
0xe8: {  	v13 =	vmul.f32 v3, v13;
	v15 =	vor.u32 v9, v15;
	v29 =	vmul.f32 v5, v26  }
0xe9: {  	vm14 =	vgt.s32 v21, $0x0;
	v15 =	vor.u32 v10, v15  }
0xea: {  	v31 =	vmul.f32 v8, v20;
	v13 =	vadd.f32 v29, v13;
	v32 =	vmul.f32 v12, v16  }
0xeb: {  	v30 =	vnsel vm14, $0x0, v21;
	v34 =	vadd.s32 $0x2, v11  }
0xec: {  	vm15 =	vgt.s32 v34, $0x0;
	v17 =	vmin.u32 v30, $0x32;
	[tilespmem:v14+s11+$0x0] =	vst.idx.add.f32.msk $0xffff, v13;
	v19 =	vadd.f32 v32, v31  }
0xed: {  	v33 =	vshll.u32 v17, $0x9;
	v17 =	vshll.u32 v17, $0x7;
	v14 =	vnsel vm15, $0x0, v34;
	v35 =	vld [tilespmem:s25+$0x200]  }
0xee: {  	v17 =	vand.u32 $0x380, v17;
	v13 =	vand.u32 $0x7000, v33;
	v14 =	vmin.u32 v14, $0x32;
	[tilespmem:v15+s11+$0x0] =	vst.idx.add.f32.msk $0xffff, v19  }
0xef: {  	v13 =	vor.u32 v13, v17;
	v36 =	vshll.u32 v14, $0x9;
	v14 =	vshll.u32 v14, $0x7;
	v15 =	vld [tilespmem:s24+$0x100]  }
0xf0: {  	v13 =	vor.u32 v6, v13;
	v17 =	vand.u32 $0x7000, v36;
	v14 =	vand.u32 $0x380, v14  }
0xf1: {  	v38 =	vadd.s32 $0x5, v7;
	v13 =	vor.u32 v4, v13;
	v14 =	vor.u32 v17, v14  }
0xf2: {  	v18 =	vmul.f32 v3, v26;
	v14 =	vor.u32 v9, v14;
	v37 =	vmul.f32 v5, v35  }
0xf3: {  	vm4 =	vgt.s32 v38, $0x0;
	v14 =	vor.u32 v10, v14  }
0xf4: {  	v16 =	vmul.f32 v8, v16;
	v39 =	vadd.f32 v37, v18;
	v41 =	vmul.f32 v12, v15  }
0xf5: {  	v40 =	vnsel vm4, $0x0, v38;
	v43 =	vadd.s32 $0x3, v11  }
0xf6: {  	vm5 =	vgt.s32 v43, $0x0;
	v18 =	vmin.u32 v40, $0x32;
	[tilespmem:v13+s11+$0x0] =	vst.idx.add.f32.msk $0xffff, v39;
	v16 =	vadd.f32 v41, v16  }
0xf7: {  	v17 =	vnsel vm5, $0x0, v43;
	v42 =	vshll.u32 v18, $0x9;
	v18 =	vshll.u32 v18, $0x7;
	v44 =	vld [tilespmem:s25+$0x280]  }
0xf8: {  	v46 =	vmin.u32 v17, $0x32;
	v13 =	vand.u32 $0x7000, v42;
	v18 =	vand.u32 $0x380, v18;
	[tilespmem:v14+s11+$0x0] =	vst.idx.add.f32.msk $0xffff, v16  }
0xf9: {  	v17 =	vshll.u32 v46, $0x9;
	v13 =	vor.u32 v13, v18;
	v14 =	vshll.u32 v46, $0x7;
	v16 =	vld [tilespmem:s24+$0x180]  }
0xfa: {  	v17 =	vand.u32 $0x7000, v17;
	v13 =	vor.u32 v6, v13;
	v14 =	vand.u32 $0x380, v14  }
0xfb: {  	v48 =	vadd.s32 $0x6, v7;
	v13 =	vor.u32 v4, v13;
	v14 =	vor.u32 v17, v14  }
0xfc: {  	v45 =	vmul.f32 v3, v35;
	v47 =	vmul.f32 v44, v5;
	v14 =	vor.u32 v9, v14  }
0xfd: {  	s31 =	sand.u32 $0x3, s17;
	vm6 =	vgt.s32 v48, $0x0;
	v14 =	vor.u32 v10, v14  }
0xfe: {  	s25 =	sshll.u32 s31, $0x5;
	v15 =	vmul.f32 v8, v15;
	v49 =	vadd.f32 v47, v45;
	v51 =	vmul.f32 v12, v16  }
0xff: {  	v50 =	vnsel vm6, $0x0, v48;
	v53 =	vadd.s32 $0x4, v11;
	s25 =	sadd.s32 s25, s19  }
0x100: {  	vm7 =	vgt.s32 v53, $0x0;
	v18 =	vmin.u32 v50, $0x32;
	s25 =	sor.u32 $0x300, s25;
	[tilespmem:v13+s11+$0x0] =	vst.idx.add.f32.msk $0xffff, v49;
	v15 =	vadd.f32 v51, v15  }
0x101: {  	v52 =	vshll.u32 v18, $0x9;
	v18 =	vshll.u32 v18, $0x7;
	v17 =	vnsel vm7, $0x0, v53;
	v54 =	vld [tilespmem:s25+$0x200]  }
0x102: {  	v18 =	vand.u32 $0x380, v18;
	v56 =	vmin.u32 v17, $0x32;
	v13 =	vand.u32 $0x7000, v52;
	[tilespmem:v14+s11+$0x0] =	vst.idx.add.f32.msk $0xffff, v15  }
0x103: {  	v17 =	vshll.u32 v56, $0x9;
	v13 =	vor.u32 v13, v18;
	v14 =	vshll.u32 v56, $0x7;
	v15 =	vld [tilespmem:s24+$0x200]  }
0x104: {  	v17 =	vand.u32 $0x7000, v17;
	v13 =	vor.u32 v6, v13;
	v14 =	vand.u32 $0x380, v14  }
0x105: {  	v58 =	vadd.s32 $0x7, v7;
	v13 =	vor.u32 v4, v13;
	v14 =	vor.u32 v17, v14  }
0x106: {  	v55 =	vmul.f32 v44, v3;
	v57 =	vmul.f32 v54, v5;
	v14 =	vor.u32 v9, v14  }
0x107: {  	vm8 =	vgt.s32 v58, $0x0;
	v14 =	vor.u32 v10, v14  }
0x108: {  	v16 =	vmul.f32 v8, v16;
	v59 =	vadd.f32 v57, v55;
	v61 =	vmul.f32 v12, v15  }
0x109: {  	s26 =	sor.u32 s15, s19;
	v60 =	vnsel vm8, $0x0, v58;
	v63 =	vadd.s32 $0x5, v11  }
0x10a: {  	vm9 =	vgt.s32 v63, $0x0;
	v18 =	vmin.u32 v60, $0x32;
	s25 =	sor.u32 $0x380, s26;
	[tilespmem:v13+s11+$0x0] =	vst.idx.add.f32.msk $0xffff, v59;
	v16 =	vadd.f32 v61, v16  }
0x10b: {  	v62 =	vshll.u32 v18, $0x9;
	v18 =	vshll.u32 v18, $0x7;
	v17 =	vnsel vm9, $0x0, v63;
	v24 =	vld [tilespmem:s25+$0x200]  }
0x10c: {  	v18 =	vand.u32 $0x380, v18;
	v26 =	vmin.u32 v17, $0x32;
	v13 =	vand.u32 $0x7000, v62;
	[tilespmem:v14+s11+$0x0] =	vst.idx.add.f32.msk $0xffff, v16  }
0x10d: {  	v17 =	vshll.u32 v26, $0x9;
	v13 =	vor.u32 v13, v18;
	v14 =	vshll.u32 v26, $0x7;
	v16 =	vld [tilespmem:s24+$0x280]  }
0x10e: {  	v17 =	vand.u32 $0x7000, v17;
	v13 =	vor.u32 v6, v13;
	v14 =	vand.u32 $0x380, v14  }
0x10f: {  	v28 =	vadd.s32 $0x8, v7;
	v13 =	vor.u32 v4, v13;
	v14 =	vor.u32 v17, v14  }
0x110: {  	v25 =	vmul.f32 v54, v3;
	v27 =	vmul.f32 v24, v5;
	v14 =	vor.u32 v9, v14  }
0x111: {  	vm10 =	vgt.s32 v28, $0x0;
	v14 =	vor.u32 v10, v14  }
0x112: {  	s28 =	sand.u32 $0x7, s18;
	v15 =	vmul.f32 v8, v15;
	v29 =	vadd.f32 v27, v25;
	v31 =	vmul.f32 v16, v12  }
0x113: {  	s29 =	sor.u32 $0x1200, s21;
	v30 =	vnsel vm10, $0x0, v28;
	v33 =	vadd.s32 $0x6, v11;
	s25 =	sshll.u32 s28, $0x4  }
0x114: {  	vm11 =	vgt.s32 v33, $0x0;
	s26 =	sor.u32 s20, s29;
	v18 =	vmin.u32 v30, $0x32;
	s25 =	sadd.s32 s19, s25;
	[tilespmem:v13+s11+$0x0] =	vst.idx.add.f32.msk $0xffff, v29;
	v15 =	vadd.f32 v31, v15  }
0x115: {  	v32 =	vshll.u32 v18, $0x9;
	v18 =	vshll.u32 v18, $0x7;
	s25 =	sadd.s32 $0x10, s25;
	v17 =	vnsel vm11, $0x0, v33;
	v34 =	vld [tilespmem:s26+$0x0]  }
0x116: {  	v18 =	vand.u32 $0x380, v18;
	s25 =	sor.u32 $0x300, s25;
	v36 =	vmin.u32 v17, $0x32;
	v13 =	vand.u32 $0x7000, v32;
	[tilespmem:v14+s11+$0x0] =	vst.idx.add.f32.msk $0xffff, v15  }
0x117: {  	v17 =	vshll.u32 v36, $0x9;
	v13 =	vor.u32 v13, v18;
	v14 =	vshll.u32 v36, $0x7;
	v15 =	vld [tilespmem:s25+$0x200]  }
0x118: {  	v17 =	vand.u32 $0x7000, v17;
	v13 =	vor.u32 v6, v13;
	v14 =	vand.u32 $0x380, v14  }
0x119: {  	v38 =	vadd.s32 $0x9, v7;
	v13 =	vor.u32 v4, v13;
	v14 =	vor.u32 v17, v14  }
0x11a: {  	v35 =	vmul.f32 v24, v3;
	v37 =	vmul.f32 v34, v5;
	v14 =	vor.u32 v9, v14  }
0x11b: {  	vm12 =	vgt.s32 v38, $0x0;
	v14 =	vor.u32 v10, v14  }
0x11c: {  	v16 =	vmul.f32 v16, v8;
	v39 =	vadd.f32 v37, v35;
	v41 =	vmul.f32 v15, v12  }
0x11d: {  	v43 =	vadd.s32 $0x7, v11;
	v40 =	vnsel vm12, $0x0, v38;
	s25 =	sor.u32 $0x1280, s21  }
0x11e: {  	vm13 =	vgt.s32 v43, $0x0;
	v18 =	vmin.u32 v40, $0x32;
	s30 =	sor.u32 s20, s25;
	[tilespmem:v13+s11+$0x0] =	vst.idx.add.f32.msk $0xffff, v39;
	v16 =	vadd.f32 v41, v16  }
0x11f: {  	s23 =	sor.u32 s23, s19;
	v42 =	vshll.u32 v18, $0x9;
	v18 =	vshll.u32 v18, $0x7;
	v17 =	vnsel vm13, $0x0, v43;
	v44 =	vld [tilespmem:s30+$0x0]  }
0x120: {  	s23 =	sor.u32 $0x380, s23;
	v18 =	vand.u32 $0x380, v18;
	v46 =	vmin.u32 v17, $0x32;
	v13 =	vand.u32 $0x7000, v42;
	[tilespmem:v14+s11+$0x0] =	vst.idx.add.f32.msk $0xffff, v16  }
0x121: {  	v17 =	vshll.u32 v46, $0x9;
	v13 =	vor.u32 v13, v18;
	v14 =	vshll.u32 v46, $0x7;
	v16 =	vld [tilespmem:s23+$0x200]  }
0x122: {  	v17 =	vand.u32 $0x7000, v17;
	v13 =	vor.u32 v6, v13;
	v14 =	vand.u32 $0x380, v14  }
0x123: {  	v48 =	vadd.s32 $0xA, v7;
	v13 =	vor.u32 v4, v13;
	v14 =	vor.u32 v17, v14  }
0x124: {  	v45 =	vmul.f32 v34, v3;
	v47 =	vmul.f32 v44, v5;
	v14 =	vor.u32 v9, v14  }
0x125: {  	vm14 =	vgt.s32 v48, $0x0;
	v14 =	vor.u32 v10, v14  }
0x126: {  	v15 =	vmul.f32 v15, v8;
	v49 =	vadd.f32 v47, v45;
	v51 =	vmul.f32 v16, v12  }
0x127: {  	v50 =	vnsel vm14, $0x0, v48;
	s31 =	sor.u32 $0x1300, s21;
	v53 =	vadd.s32 $0x8, v11  }
0x128: {  	vm15 =	vgt.s32 v53, $0x0;
	s28 =	sor.u32 s20, s31;
	v18 =	vmin.u32 v50, $0x32;
	[tilespmem:v13+s11+$0x0] =	vst.idx.add.f32.msk $0xffff, v49;
	v15 =	vadd.f32 v51, v15  }
0x129: {  	v52 =	vshll.u32 v18, $0x9;
	v18 =	vshll.u32 v18, $0x7;
	v17 =	vnsel vm15, $0x0, v53;
	v54 =	vld [tilespmem:s28+$0x0]  }
0x12a: {  	s24 =	sor.u32 s22, s29;
	v18 =	vand.u32 $0x380, v18;
	v56 =	vmin.u32 v17, $0x32;
	v13 =	vand.u32 $0x7000, v52;
	[tilespmem:v14+s11+$0x0] =	vst.idx.add.f32.msk $0xffff, v15  }
0x12b: {  	v17 =	vshll.u32 v56, $0x9;
	v13 =	vor.u32 v13, v18;
	v14 =	vshll.u32 v56, $0x7;
	v15 =	vld [tilespmem:s24+$0x0]  }
0x12c: {  	v17 =	vand.u32 $0x7000, v17;
	v13 =	vor.u32 v6, v13;
	v14 =	vand.u32 $0x380, v14  }
0x12d: {  	v58 =	vadd.s32 $0xB, v7;
	v13 =	vor.u32 v4, v13;
	v14 =	vor.u32 v17, v14  }
0x12e: {  	v55 =	vmul.f32 v44, v3;
	v57 =	vmul.f32 v54, v5;
	v14 =	vor.u32 v9, v14  }
0x12f: {  	vm4 =	vgt.s32 v58, $0x0;
	v14 =	vor.u32 v10, v14  }
0x130: {  	v16 =	vmul.f32 v16, v8;
	v59 =	vadd.f32 v57, v55;
	v61 =	vmul.f32 v15, v12  }
0x131: {  	v60 =	vnsel vm4, $0x0, v58;
	v63 =	vadd.s32 $0x9, v11;
	s24 =	sor.u32 $0x1380, s21  }
0x132: {  	vm5 =	vgt.s32 v63, $0x0;
	v18 =	vmin.u32 v60, $0x32;
	s29 =	sor.u32 s20, s24;
	[tilespmem:v13+s11+$0x0] =	vst.idx.add.f32.msk $0xffff, v59;
	v16 =	vadd.f32 v61, v16  }
0x133: {  	v62 =	vshll.u32 v18, $0x9;
	v18 =	vshll.u32 v18, $0x7;
	v17 =	vnsel vm5, $0x0, v63;
	v24 =	vld [tilespmem:s29+$0x0]  }
0x134: {  	s25 =	sor.u32 s22, s25;
	v18 =	vand.u32 $0x380, v18;
	v26 =	vmin.u32 v17, $0x32;
	v13 =	vand.u32 $0x7000, v62;
	[tilespmem:v14+s11+$0x0] =	vst.idx.add.f32.msk $0xffff, v16  }
0x135: {  	v17 =	vshll.u32 v26, $0x9;
	v13 =	vor.u32 v13, v18;
	v14 =	vshll.u32 v26, $0x7;
	v16 =	vld [tilespmem:s25+$0x0]  }
0x136: {  	v17 =	vand.u32 $0x7000, v17;
	v13 =	vor.u32 v6, v13;
	v14 =	vand.u32 $0x380, v14  }
0x137: {  	v28 =	vadd.s32 $0xC, v7;
	v13 =	vor.u32 v4, v13;
	v14 =	vor.u32 v17, v14  }
0x138: {  	v25 =	vmul.f32 v54, v3;
	v27 =	vmul.f32 v24, v5;
	v14 =	vor.u32 v9, v14  }
0x139: {  	vm6 =	vgt.s32 v28, $0x0;
	v14 =	vor.u32 v10, v14  }
0x13a: {  	v15 =	vmul.f32 v15, v8;
	v29 =	vadd.f32 v27, v25;
	v31 =	vmul.f32 v16, v12  }
0x13b: {  	v30 =	vnsel vm6, $0x0, v28;
	v33 =	vadd.s32 $0xA, v11;
	s25 =	sadd.s32 $0x1400, s21  }
0x13c: {  	vm7 =	vgt.s32 v33, $0x0;
	v18 =	vmin.u32 v30, $0x32;
	s30 =	sor.u32 s20, s25;
	[tilespmem:v13+s11+$0x0] =	vst.idx.add.f32.msk $0xffff, v29;
	v15 =	vadd.f32 v31, v15  }
0x13d: {  	v32 =	vshll.u32 v18, $0x9;
	v18 =	vshll.u32 v18, $0x7;
	v17 =	vnsel vm7, $0x0, v33;
	v34 =	vld [tilespmem:s30+$0x0]  }
0x13e: {  	s23 =	sor.u32 s22, s31;
	v18 =	vand.u32 $0x380, v18;
	v36 =	vmin.u32 v17, $0x32;
	v13 =	vand.u32 $0x7000, v32;
	[tilespmem:v14+s11+$0x0] =	vst.idx.add.f32.msk $0xffff, v15  }
0x13f: {  	v17 =	vshll.u32 v36, $0x9;
	v13 =	vor.u32 v13, v18;
	v14 =	vshll.u32 v36, $0x7;
	v15 =	vld [tilespmem:s23+$0x0]  }
0x140: {  	v17 =	vand.u32 $0x7000, v17;
	v13 =	vor.u32 v6, v13;
	v14 =	vand.u32 $0x380, v14  }
0x141: {  	v38 =	vadd.s32 $0xD, v7;
	v13 =	vor.u32 v4, v13;
	v14 =	vor.u32 v17, v14  }
0x142: {  	v35 =	vmul.f32 v24, v3;
	v37 =	vmul.f32 v34, v5;
	v14 =	vor.u32 v9, v14  }
0x143: {  	vm8 =	vgt.s32 v38, $0x0;
	v14 =	vor.u32 v10, v14  }
0x144: {  	v16 =	vmul.f32 v16, v8;
	v39 =	vadd.f32 v37, v35;
	v41 =	vmul.f32 v15, v12  }
0x145: {  	v40 =	vnsel vm8, $0x0, v38;
	v43 =	vadd.s32 $0xB, v11;
	s31 =	sadd.s32 $0x1480, s21  }
0x146: {  	vm9 =	vgt.s32 v43, $0x0;
	s28 =	sor.u32 s20, s31;
	v18 =	vmin.u32 v40, $0x32;
	[tilespmem:v13+s11+$0x0] =	vst.idx.add.f32.msk $0xffff, v39;
	v16 =	vadd.f32 v41, v16  }
0x147: {  	v42 =	vshll.u32 v18, $0x9;
	v18 =	vshll.u32 v18, $0x7;
	v17 =	vnsel vm9, $0x0, v43;
	v44 =	vld [tilespmem:s28+$0x0]  }
0x148: {  	s24 =	sor.u32 s22, s24;
	v18 =	vand.u32 $0x380, v18;
	v46 =	vmin.u32 v17, $0x32;
	v13 =	vand.u32 $0x7000, v42;
	[tilespmem:v14+s11+$0x0] =	vst.idx.add.f32.msk $0xffff, v16  }
0x149: {  	v17 =	vshll.u32 v46, $0x9;
	v13 =	vor.u32 v13, v18;
	v14 =	vshll.u32 v46, $0x7;
	v16 =	vld [tilespmem:s24+$0x0]  }
0x14a: {  	v17 =	vand.u32 $0x7000, v17;
	v13 =	vor.u32 v6, v13;
	v14 =	vand.u32 $0x380, v14  }
0x14b: {  	v48 =	vadd.s32 $0xE, v7;
	v13 =	vor.u32 v4, v13;
	v14 =	vor.u32 v17, v14  }
0x14c: {  	v45 =	vmul.f32 v34, v3;
	v47 =	vmul.f32 v44, v5;
	v14 =	vor.u32 v9, v14  }
0x14d: {  	vm10 =	vgt.s32 v48, $0x0;
	v14 =	vor.u32 v10, v14  }
0x14e: {  	v15 =	vmul.f32 v15, v8;
	v49 =	vadd.f32 v47, v45;
	v51 =	vmul.f32 v16, v12  }
0x14f: {  	v50 =	vnsel vm10, $0x0, v48;
	v53 =	vadd.s32 $0xC, v11;
	s24 =	sadd.s32 $0x1500, s21  }
0x150: {  	vm11 =	vgt.s32 v53, $0x0;
	v18 =	vmin.u32 v50, $0x32;
	s29 =	sor.u32 s20, s24;
	[tilespmem:v13+s11+$0x0] =	vst.idx.add.f32.msk $0xffff, v49;
	v15 =	vadd.f32 v51, v15  }
0x151: {  	v52 =	vshll.u32 v18, $0x9;
	v18 =	vshll.u32 v18, $0x7;
	v17 =	vnsel vm11, $0x0, v53;
	v54 =	vld [tilespmem:s29+$0x0]  }
0x152: {  	s25 =	sor.u32 s22, s25;
	v18 =	vand.u32 $0x380, v18;
	v56 =	vmin.u32 v17, $0x32;
	v13 =	vand.u32 $0x7000, v52;
	[tilespmem:v14+s11+$0x0] =	vst.idx.add.f32.msk $0xffff, v15  }
0x153: {  	v17 =	vshll.u32 v56, $0x9;
	v13 =	vor.u32 v13, v18;
	v14 =	vshll.u32 v56, $0x7;
	v15 =	vld [tilespmem:s25+$0x0]  }
0x154: {  	v17 =	vand.u32 $0x7000, v17;
	v13 =	vor.u32 v6, v13;
	v14 =	vand.u32 $0x380, v14  }
0x155: {  	v58 =	vadd.s32 $0xF, v7;
	v13 =	vor.u32 v4, v13;
	v14 =	vor.u32 v17, v14  }
0x156: {  	v55 =	vmul.f32 v44, v3;
	v57 =	vmul.f32 v54, v5;
	v14 =	vor.u32 v9, v14  }
0x157: {  	vm12 =	vgt.s32 v58, $0x0;
	v14 =	vor.u32 v10, v14  }
0x158: {  	v16 =	vmul.f32 v16, v8;
	v59 =	vadd.f32 v57, v55;
	v61 =	vmul.f32 v15, v12  }
0x159: {  	v60 =	vnsel vm12, $0x0, v58;
	v63 =	vadd.s32 $0xD, v11;
	s25 =	sadd.s32 $0x1580, s21  }
0x15a: {  	vm13 =	vgt.s32 v63, $0x0;
	v18 =	vmin.u32 v60, $0x32;
	s30 =	sor.u32 s20, s25;
	[tilespmem:v13+s11+$0x0] =	vst.idx.add.f32.msk $0xffff, v59;
	v16 =	vadd.f32 v61, v16  }
0x15b: {  	v62 =	vshll.u32 v18, $0x9;
	v18 =	vshll.u32 v18, $0x7;
	v17 =	vnsel vm13, $0x0, v63;
	v24 =	vld [tilespmem:s30+$0x0]  }
0x15c: {  	s23 =	sor.u32 s22, s31;
	v18 =	vand.u32 $0x380, v18;
	v26 =	vmin.u32 v17, $0x32;
	v13 =	vand.u32 $0x7000, v62;
	[tilespmem:v14+s11+$0x0] =	vst.idx.add.f32.msk $0xffff, v16  }
0x15d: {  	v17 =	vshll.u32 v26, $0x9;
	v13 =	vor.u32 v13, v18;
	v14 =	vshll.u32 v26, $0x7;
	v16 =	vld [tilespmem:s23+$0x0]  }
0x15e: {  	v17 =	vand.u32 $0x7000, v17;
	v13 =	vor.u32 v6, v13;
	v14 =	vand.u32 $0x380, v14  }
0x15f: {  	v28 =	vadd.s32 $0x10, v7;
	v13 =	vor.u32 v4, v13;
	v14 =	vor.u32 v17, v14  }
0x160: {  	v25 =	vmul.f32 v54, v3;
	v27 =	vmul.f32 v24, v5;
	v14 =	vor.u32 v9, v14  }
0x161: {  	vm14 =	vgt.s32 v28, $0x0;
	v14 =	vor.u32 v10, v14  }
0x162: {  	v15 =	vmul.f32 v15, v8;
	v29 =	vadd.f32 v27, v25;
	v31 =	vmul.f32 v16, v12  }
0x163: {  	v30 =	vnsel vm14, $0x0, v28;
	v33 =	vadd.s32 $0xE, v11;
	s31 =	sor.u32 $0x2200, s21  }
0x164: {  	vm15 =	vgt.s32 v33, $0x0;
	s28 =	sor.u32 s20, s31;
	v18 =	vmin.u32 v30, $0x32;
	[tilespmem:v13+s11+$0x0] =	vst.idx.add.f32.msk $0xffff, v29;
	v15 =	vadd.f32 v31, v15  }
0x165: {  	v32 =	vshll.u32 v18, $0x9;
	v18 =	vshll.u32 v18, $0x7;
	v17 =	vnsel vm15, $0x0, v33;
	v34 =	vld [tilespmem:s28+$0x0]  }
0x166: {  	s24 =	sor.u32 s22, s24;
	v18 =	vand.u32 $0x380, v18;
	v36 =	vmin.u32 v17, $0x32;
	v13 =	vand.u32 $0x7000, v32;
	[tilespmem:v14+s11+$0x0] =	vst.idx.add.f32.msk $0xffff, v15  }
0x167: {  	v17 =	vshll.u32 v36, $0x9;
	v13 =	vor.u32 v13, v18;
	v14 =	vshll.u32 v36, $0x7;
	v15 =	vld [tilespmem:s24+$0x0]  }
0x168: {  	v17 =	vand.u32 $0x7000, v17;
	v13 =	vor.u32 v6, v13;
	v14 =	vand.u32 $0x380, v14  }
0x169: {  	v38 =	vadd.s32 $0x11, v7;
	v13 =	vor.u32 v4, v13;
	v14 =	vor.u32 v17, v14  }
0x16a: {  	v35 =	vmul.f32 v24, v3;
	v37 =	vmul.f32 v34, v5;
	v14 =	vor.u32 v9, v14  }
0x16b: {  	vm4 =	vgt.s32 v38, $0x0;
	v14 =	vor.u32 v10, v14  }
0x16c: {  	v16 =	vmul.f32 v16, v8;
	v39 =	vadd.f32 v37, v35;
	v41 =	vmul.f32 v15, v12  }
0x16d: {  	v40 =	vnsel vm4, $0x0, v38;
	v43 =	vadd.s32 $0xF, v11;
	s24 =	sor.u32 $0x2280, s21  }
0x16e: {  	vm5 =	vgt.s32 v43, $0x0;
	v18 =	vmin.u32 v40, $0x32;
	s29 =	sor.u32 s20, s24;
	[tilespmem:v13+s11+$0x0] =	vst.idx.add.f32.msk $0xffff, v39;
	v16 =	vadd.f32 v41, v16  }
0x16f: {  	v42 =	vshll.u32 v18, $0x9;
	v18 =	vshll.u32 v18, $0x7;
	v17 =	vnsel vm5, $0x0, v43;
	v44 =	vld [tilespmem:s29+$0x0]  }
0x170: {  	s25 =	sor.u32 s22, s25;
	v18 =	vand.u32 $0x380, v18;
	v46 =	vmin.u32 v17, $0x32;
	v13 =	vand.u32 $0x7000, v42;
	[tilespmem:v14+s11+$0x0] =	vst.idx.add.f32.msk $0xffff, v16  }
0x171: {  	v17 =	vshll.u32 v46, $0x9;
	v13 =	vor.u32 v13, v18;
	v14 =	vshll.u32 v46, $0x7;
	v16 =	vld [tilespmem:s25+$0x0]  }
0x172: {  	v17 =	vand.u32 $0x7000, v17;
	v13 =	vor.u32 v6, v13;
	v14 =	vand.u32 $0x380, v14  }
0x173: {  	v48 =	vadd.s32 $0x12, v7;
	v13 =	vor.u32 v4, v13;
	v14 =	vor.u32 v17, v14  }
0x174: {  	v45 =	vmul.f32 v34, v3;
	v47 =	vmul.f32 v44, v5;
	v14 =	vor.u32 v9, v14  }
0x175: {  	vm6 =	vgt.s32 v48, $0x0;
	v14 =	vor.u32 v10, v14  }
0x176: {  	v15 =	vmul.f32 v15, v8;
	v49 =	vadd.f32 v47, v45;
	v51 =	vmul.f32 v16, v12  }
0x177: {  	v50 =	vnsel vm6, $0x0, v48;
	v53 =	vadd.s32 $0x10, v11;
	s25 =	sor.u32 $0x2300, s21  }
0x178: {  	vm7 =	vgt.s32 v53, $0x0;
	v18 =	vmin.u32 v50, $0x32;
	s30 =	sor.u32 s20, s25;
	[tilespmem:v13+s11+$0x0] =	vst.idx.add.f32.msk $0xffff, v49;
	v15 =	vadd.f32 v51, v15  }
0x179: {  	v52 =	vshll.u32 v18, $0x9;
	v18 =	vshll.u32 v18, $0x7;
	v17 =	vnsel vm7, $0x0, v53;
	v54 =	vld [tilespmem:s30+$0x0]  }
0x17a: {  	s23 =	sor.u32 s22, s31;
	v18 =	vand.u32 $0x380, v18;
	v56 =	vmin.u32 v17, $0x32;
	v13 =	vand.u32 $0x7000, v52;
	[tilespmem:v14+s11+$0x0] =	vst.idx.add.f32.msk $0xffff, v15  }
0x17b: {  	v17 =	vshll.u32 v56, $0x9;
	v13 =	vor.u32 v13, v18;
	v14 =	vshll.u32 v56, $0x7;
	v15 =	vld [tilespmem:s23+$0x0]  }
0x17c: {  	v17 =	vand.u32 $0x7000, v17;
	v13 =	vor.u32 v6, v13;
	v14 =	vand.u32 $0x380, v14  }
0x17d: {  	v58 =	vadd.s32 $0x13, v7;
	v13 =	vor.u32 v4, v13;
	v14 =	vor.u32 v17, v14  }
0x17e: {  	v55 =	vmul.f32 v44, v3;
	v57 =	vmul.f32 v54, v5;
	v14 =	vor.u32 v9, v14  }
0x17f: {  	vm8 =	vgt.s32 v58, $0x0;
	v14 =	vor.u32 v10, v14  }
0x180: {  	v16 =	vmul.f32 v16, v8;
	v59 =	vadd.f32 v57, v55;
	v61 =	vmul.f32 v15, v12  }
0x181: {  	v60 =	vnsel vm8, $0x0, v58;
	v63 =	vadd.s32 $0x11, v11;
	s31 =	sor.u32 $0x2380, s21  }
0x182: {  	vm9 =	vgt.s32 v63, $0x0;
	s28 =	sor.u32 s20, s31;
	v18 =	vmin.u32 v60, $0x32;
	[tilespmem:v13+s11+$0x0] =	vst.idx.add.f32.msk $0xffff, v59;
	v16 =	vadd.f32 v61, v16  }
0x183: {  	v62 =	vshll.u32 v18, $0x9;
	v18 =	vshll.u32 v18, $0x7;
	v17 =	vnsel vm9, $0x0, v63;
	v24 =	vld [tilespmem:s28+$0x0]  }
0x184: {  	s24 =	sor.u32 s22, s24;
	v18 =	vand.u32 $0x380, v18;
	v26 =	vmin.u32 v17, $0x32;
	v13 =	vand.u32 $0x7000, v62;
	[tilespmem:v14+s11+$0x0] =	vst.idx.add.f32.msk $0xffff, v16  }
0x185: {  	v17 =	vshll.u32 v26, $0x9;
	v13 =	vor.u32 v13, v18;
	v14 =	vshll.u32 v26, $0x7;
	v16 =	vld [tilespmem:s24+$0x0]  }
0x186: {  	v17 =	vand.u32 $0x7000, v17;
	v13 =	vor.u32 v6, v13;
	v14 =	vand.u32 $0x380, v14  }
0x187: {  	v28 =	vadd.s32 $0x14, v7;
	v13 =	vor.u32 v4, v13;
	v14 =	vor.u32 v17, v14  }
0x188: {  	v25 =	vmul.f32 v54, v3;
	v27 =	vmul.f32 v24, v5;
	v14 =	vor.u32 v9, v14  }
0x189: {  	vm10 =	vgt.s32 v28, $0x0;
	v14 =	vor.u32 v10, v14  }
0x18a: {  	v15 =	vmul.f32 v15, v8;
	v29 =	vadd.f32 v27, v25;
	v31 =	vmul.f32 v16, v12  }
0x18b: {  	v30 =	vnsel vm10, $0x0, v28;
	v33 =	vadd.s32 $0x12, v11;
	s24 =	sadd.s32 $0x2400, s21  }
0x18c: {  	vm11 =	vgt.s32 v33, $0x0;
	v18 =	vmin.u32 v30, $0x32;
	s29 =	sor.u32 s20, s24;
	[tilespmem:v13+s11+$0x0] =	vst.idx.add.f32.msk $0xffff, v29;
	v15 =	vadd.f32 v31, v15  }
0x18d: {  	v32 =	vshll.u32 v18, $0x9;
	v18 =	vshll.u32 v18, $0x7;
	v17 =	vnsel vm11, $0x0, v33;
	v34 =	vld [tilespmem:s29+$0x0]  }
0x18e: {  	s25 =	sor.u32 s22, s25;
	v18 =	vand.u32 $0x380, v18;
	v36 =	vmin.u32 v17, $0x32;
	v13 =	vand.u32 $0x7000, v32;
	[tilespmem:v14+s11+$0x0] =	vst.idx.add.f32.msk $0xffff, v15  }
0x18f: {  	v17 =	vshll.u32 v36, $0x9;
	v13 =	vor.u32 v13, v18;
	v14 =	vshll.u32 v36, $0x7;
	v15 =	vld [tilespmem:s25+$0x0]  }
0x190: {  	v17 =	vand.u32 $0x7000, v17;
	v13 =	vor.u32 v6, v13;
	v14 =	vand.u32 $0x380, v14  }
0x191: {  	v38 =	vadd.s32 $0x15, v7;
	v13 =	vor.u32 v4, v13;
	v14 =	vor.u32 v17, v14  }
0x192: {  	v35 =	vmul.f32 v24, v3;
	v37 =	vmul.f32 v34, v5;
	v14 =	vor.u32 v9, v14  }
0x193: {  	vm12 =	vgt.s32 v38, $0x0;
	v14 =	vor.u32 v10, v14  }
0x194: {  	v16 =	vmul.f32 v16, v8;
	v39 =	vadd.f32 v37, v35;
	v41 =	vmul.f32 v15, v12  }
0x195: {  	v40 =	vnsel vm12, $0x0, v38;
	v43 =	vadd.s32 $0x13, v11;
	s25 =	sadd.s32 $0x2480, s21  }
0x196: {  	vm13 =	vgt.s32 v43, $0x0;
	v18 =	vmin.u32 v40, $0x32;
	s30 =	sor.u32 s20, s25;
	[tilespmem:v13+s11+$0x0] =	vst.idx.add.f32.msk $0xffff, v39;
	v16 =	vadd.f32 v41, v16  }
0x197: {  	v42 =	vshll.u32 v18, $0x9;
	v18 =	vshll.u32 v18, $0x7;
	v17 =	vnsel vm13, $0x0, v43;
	v44 =	vld [tilespmem:s30+$0x0]  }
0x198: {  	s23 =	sor.u32 s22, s31;
	v18 =	vand.u32 $0x380, v18;
	v46 =	vmin.u32 v17, $0x32;
	v13 =	vand.u32 $0x7000, v42;
	[tilespmem:v14+s11+$0x0] =	vst.idx.add.f32.msk $0xffff, v16  }
0x199: {  	v17 =	vshll.u32 v46, $0x9;
	v13 =	vor.u32 v13, v18;
	v14 =	vshll.u32 v46, $0x7;
	v16 =	vld [tilespmem:s23+$0x0]  }
0x19a: {  	v17 =	vand.u32 $0x7000, v17;
	v13 =	vor.u32 v6, v13;
	v14 =	vand.u32 $0x380, v14  }
0x19b: {  	v48 =	vadd.s32 $0x16, v7;
	v13 =	vor.u32 v4, v13;
	v14 =	vor.u32 v17, v14  }
0x19c: {  	v45 =	vmul.f32 v34, v3;
	v47 =	vmul.f32 v44, v5;
	v14 =	vor.u32 v9, v14  }
0x19d: {  	vm14 =	vgt.s32 v48, $0x0;
	v14 =	vor.u32 v10, v14  }
0x19e: {  	v15 =	vmul.f32 v15, v8;
	v49 =	vadd.f32 v47, v45;
	v51 =	vmul.f32 v16, v12  }
0x19f: {  	v50 =	vnsel vm14, $0x0, v48;
	v53 =	vadd.s32 $0x14, v11;
	s31 =	sadd.s32 $0x2500, s21  }
0x1a0: {  	vm15 =	vgt.s32 v53, $0x0;
	s28 =	sor.u32 s20, s31;
	v18 =	vmin.u32 v50, $0x32;
	[tilespmem:v13+s11+$0x0] =	vst.idx.add.f32.msk $0xffff, v49;
	v15 =	vadd.f32 v51, v15  }
0x1a1: {  	v52 =	vshll.u32 v18, $0x9;
	v18 =	vshll.u32 v18, $0x7;
	v17 =	vnsel vm15, $0x0, v53;
	v54 =	vld [tilespmem:s28+$0x0]  }
0x1a2: {  	s24 =	sor.u32 s22, s24;
	v18 =	vand.u32 $0x380, v18;
	v56 =	vmin.u32 v17, $0x32;
	v13 =	vand.u32 $0x7000, v52;
	[tilespmem:v14+s11+$0x0] =	vst.idx.add.f32.msk $0xffff, v15  }
0x1a3: {  	v17 =	vshll.u32 v56, $0x9;
	v13 =	vor.u32 v13, v18;
	v14 =	vshll.u32 v56, $0x7;
	v15 =	vld [tilespmem:s24+$0x0]  }
0x1a4: {  	v17 =	vand.u32 $0x7000, v17;
	v13 =	vor.u32 v6, v13;
	v14 =	vand.u32 $0x380, v14  }
0x1a5: {  	v58 =	vadd.s32 $0x17, v7;
	v13 =	vor.u32 v4, v13;
	v14 =	vor.u32 v17, v14  }
0x1a6: {  	v55 =	vmul.f32 v44, v3;
	v57 =	vmul.f32 v54, v5;
	v14 =	vor.u32 v9, v14  }
0x1a7: {  	vm4 =	vgt.s32 v58, $0x0;
	v14 =	vor.u32 v10, v14  }
0x1a8: {  	v16 =	vmul.f32 v16, v8;
	v59 =	vadd.f32 v57, v55;
	v61 =	vmul.f32 v15, v12  }
0x1a9: {  	v60 =	vnsel vm4, $0x0, v58;
	v63 =	vadd.s32 $0x15, v11;
	s24 =	sadd.s32 $0x2580, s21  }
0x1aa: {  	vm5 =	vgt.s32 v63, $0x0;
	v18 =	vmin.u32 v60, $0x32;
	s29 =	sor.u32 s20, s24;
	[tilespmem:v13+s11+$0x0] =	vst.idx.add.f32.msk $0xffff, v59;
	v16 =	vadd.f32 v61, v16  }
0x1ab: {  	v62 =	vshll.u32 v18, $0x9;
	v18 =	vshll.u32 v18, $0x7;
	v17 =	vnsel vm5, $0x0, v63;
	v24 =	vld [tilespmem:s29+$0x0]  }
0x1ac: {  	s25 =	sor.u32 s22, s25;
	v18 =	vand.u32 $0x380, v18;
	v26 =	vmin.u32 v17, $0x32;
	v13 =	vand.u32 $0x7000, v62;
	[tilespmem:v14+s11+$0x0] =	vst.idx.add.f32.msk $0xffff, v16  }
0x1ad: {  	v17 =	vshll.u32 v26, $0x9;
	v13 =	vor.u32 v13, v18;
	v14 =	vshll.u32 v26, $0x7;
	v16 =	vld [tilespmem:s25+$0x0]  }
0x1ae: {  	v17 =	vand.u32 $0x7000, v17;
	v13 =	vor.u32 v6, v13;
	v14 =	vand.u32 $0x380, v14  }
0x1af: {  	v28 =	vadd.s32 $0x18, v7;
	v13 =	vor.u32 v4, v13;
	v14 =	vor.u32 v17, v14  }
0x1b0: {  	v25 =	vmul.f32 v54, v3;
	v27 =	vmul.f32 v24, v5;
	v14 =	vor.u32 v9, v14  }
0x1b1: {  	vm6 =	vgt.s32 v28, $0x0;
	v14 =	vor.u32 v10, v14  }
0x1b2: {  	v15 =	vmul.f32 v15, v8;
	v29 =	vadd.f32 v27, v25;
	v31 =	vmul.f32 v16, v12  }
0x1b3: {  	v30 =	vnsel vm6, $0x0, v28;
	v33 =	vadd.s32 $0x16, v11;
	s25 =	sor.u32 $0x3200, s21  }
0x1b4: {  	vm7 =	vgt.s32 v33, $0x0;
	v18 =	vmin.u32 v30, $0x32;
	s30 =	sor.u32 s20, s25;
	[tilespmem:v13+s11+$0x0] =	vst.idx.add.f32.msk $0xffff, v29;
	v15 =	vadd.f32 v31, v15  }
0x1b5: {  	v32 =	vshll.u32 v18, $0x9;
	v18 =	vshll.u32 v18, $0x7;
	v17 =	vnsel vm7, $0x0, v33;
	v34 =	vld [tilespmem:s30+$0x0]  }
0x1b6: {  	s23 =	sor.u32 s22, s31;
	v18 =	vand.u32 $0x380, v18;
	v36 =	vmin.u32 v17, $0x32;
	v13 =	vand.u32 $0x7000, v32;
	[tilespmem:v14+s11+$0x0] =	vst.idx.add.f32.msk $0xffff, v15  }
0x1b7: {  	v17 =	vshll.u32 v36, $0x9;
	v13 =	vor.u32 v13, v18;
	v14 =	vshll.u32 v36, $0x7;
	v15 =	vld [tilespmem:s23+$0x0]  }
0x1b8: {  	v17 =	vand.u32 $0x7000, v17;
	v13 =	vor.u32 v6, v13;
	v14 =	vand.u32 $0x380, v14  }
0x1b9: {  	v38 =	vadd.s32 $0x19, v7;
	v13 =	vor.u32 v4, v13;
	v14 =	vor.u32 v17, v14  }
0x1ba: {  	v35 =	vmul.f32 v24, v3;
	v37 =	vmul.f32 v34, v5;
	v14 =	vor.u32 v9, v14  }
0x1bb: {  	vm8 =	vgt.s32 v38, $0x0;
	v14 =	vor.u32 v10, v14  }
0x1bc: {  	v16 =	vmul.f32 v16, v8;
	v39 =	vadd.f32 v37, v35;
	v41 =	vmul.f32 v15, v12  }
0x1bd: {  	v40 =	vnsel vm8, $0x0, v38;
	v43 =	vadd.s32 $0x17, v11;
	s31 =	sor.u32 $0x3280, s21  }
0x1be: {  	vm9 =	vgt.s32 v43, $0x0;
	s28 =	sor.u32 s20, s31;
	v18 =	vmin.u32 v40, $0x32;
	[tilespmem:v13+s11+$0x0] =	vst.idx.add.f32.msk $0xffff, v39;
	v16 =	vadd.f32 v41, v16  }
0x1bf: {  	v42 =	vshll.u32 v18, $0x9;
	v18 =	vshll.u32 v18, $0x7;
	v17 =	vnsel vm9, $0x0, v43;
	v44 =	vld [tilespmem:s28+$0x0]  }
0x1c0: {  	s24 =	sor.u32 s22, s24;
	v18 =	vand.u32 $0x380, v18;
	v46 =	vmin.u32 v17, $0x32;
	v13 =	vand.u32 $0x7000, v42;
	[tilespmem:v14+s11+$0x0] =	vst.idx.add.f32.msk $0xffff, v16  }
0x1c1: {  	v17 =	vshll.u32 v46, $0x9;
	v13 =	vor.u32 v13, v18;
	v14 =	vshll.u32 v46, $0x7;
	v16 =	vld [tilespmem:s24+$0x0]  }
0x1c2: {  	v17 =	vand.u32 $0x7000, v17;
	v13 =	vor.u32 v6, v13;
	v14 =	vand.u32 $0x380, v14  }
0x1c3: {  	v48 =	vadd.s32 $0x1A, v7;
	v13 =	vor.u32 v4, v13;
	v14 =	vor.u32 v17, v14  }
0x1c4: {  	v45 =	vmul.f32 v34, v3;
	v47 =	vmul.f32 v44, v5;
	v14 =	vor.u32 v9, v14  }
0x1c5: {  	vm10 =	vgt.s32 v48, $0x0;
	v14 =	vor.u32 v10, v14  }
0x1c6: {  	v15 =	vmul.f32 v15, v8;
	v49 =	vadd.f32 v47, v45;
	v51 =	vmul.f32 v16, v12  }
0x1c7: {  	v50 =	vnsel vm10, $0x0, v48;
	v53 =	vadd.s32 $0x18, v11;
	s24 =	sor.u32 $0x3300, s21  }
0x1c8: {  	vm11 =	vgt.s32 v53, $0x0;
	v18 =	vmin.u32 v50, $0x32;
	s29 =	sor.u32 s20, s24;
	[tilespmem:v13+s11+$0x0] =	vst.idx.add.f32.msk $0xffff, v49;
	v15 =	vadd.f32 v51, v15  }
0x1c9: {  	v52 =	vshll.u32 v18, $0x9;
	v18 =	vshll.u32 v18, $0x7;
	v17 =	vnsel vm11, $0x0, v53;
	v54 =	vld [tilespmem:s29+$0x0]  }
0x1ca: {  	s25 =	sor.u32 s22, s25;
	v18 =	vand.u32 $0x380, v18;
	v56 =	vmin.u32 v17, $0x32;
	v13 =	vand.u32 $0x7000, v52;
	[tilespmem:v14+s11+$0x0] =	vst.idx.add.f32.msk $0xffff, v15  }
0x1cb: {  	v17 =	vshll.u32 v56, $0x9;
	v13 =	vor.u32 v13, v18;
	v14 =	vshll.u32 v56, $0x7;
	v15 =	vld [tilespmem:s25+$0x0]  }
0x1cc: {  	v17 =	vand.u32 $0x7000, v17;
	v13 =	vor.u32 v6, v13;
	v14 =	vand.u32 $0x380, v14  }
0x1cd: {  	v58 =	vadd.s32 $0x1B, v7;
	v13 =	vor.u32 v4, v13;
	v14 =	vor.u32 v17, v14  }
0x1ce: {  	v55 =	vmul.f32 v44, v3;
	v57 =	vmul.f32 v54, v5;
	v14 =	vor.u32 v9, v14  }
0x1cf: {  	vm12 =	vgt.s32 v58, $0x0;
	v14 =	vor.u32 v10, v14  }
0x1d0: {  	v16 =	vmul.f32 v16, v8;
	v59 =	vadd.f32 v57, v55;
	v61 =	vmul.f32 v15, v12  }
0x1d1: {  	v60 =	vnsel vm12, $0x0, v58;
	v63 =	vadd.s32 $0x19, v11;
	s25 =	sor.u32 $0x3380, s21  }
0x1d2: {  	vm13 =	vgt.s32 v63, $0x0;
	v18 =	vmin.u32 v60, $0x32;
	s30 =	sor.u32 s20, s25;
	[tilespmem:v13+s11+$0x0] =	vst.idx.add.f32.msk $0xffff, v59;
	v16 =	vadd.f32 v61, v16  }
0x1d3: {  	v62 =	vshll.u32 v18, $0x9;
	v18 =	vshll.u32 v18, $0x7;
	v17 =	vnsel vm13, $0x0, v63;
	v24 =	vld [tilespmem:s30+$0x0]  }
0x1d4: {  	s23 =	sor.u32 s22, s31;
	v18 =	vand.u32 $0x380, v18;
	v26 =	vmin.u32 v17, $0x32;
	v13 =	vand.u32 $0x7000, v62;
	[tilespmem:v14+s11+$0x0] =	vst.idx.add.f32.msk $0xffff, v16  }
0x1d5: {  	v17 =	vshll.u32 v26, $0x9;
	v13 =	vor.u32 v13, v18;
	v14 =	vshll.u32 v26, $0x7;
	v16 =	vld [tilespmem:s23+$0x0]  }
0x1d6: {  	v17 =	vand.u32 $0x7000, v17;
	v13 =	vor.u32 v6, v13;
	v14 =	vand.u32 $0x380, v14  }
0x1d7: {  	v28 =	vadd.s32 $0x1C, v7;
	v13 =	vor.u32 v4, v13;
	v14 =	vor.u32 v17, v14  }
0x1d8: {  	v25 =	vmul.f32 v54, v3;
	v27 =	vmul.f32 v24, v5;
	v14 =	vor.u32 v9, v14  }
0x1d9: {  	vm14 =	vgt.s32 v28, $0x0;
	v14 =	vor.u32 v10, v14  }
0x1da: {  	v15 =	vmul.f32 v15, v8;
	v29 =	vadd.f32 v27, v25;
	v31 =	vmul.f32 v16, v12  }
0x1db: {  	v30 =	vnsel vm14, $0x0, v28;
	v33 =	vadd.s32 $0x1A, v11;
	s31 =	sadd.s32 $0x3400, s21  }
0x1dc: {  	vm15 =	vgt.s32 v33, $0x0;
	s28 =	sor.u32 s20, s31;
	v18 =	vmin.u32 v30, $0x32;
	[tilespmem:v13+s11+$0x0] =	vst.idx.add.f32.msk $0xffff, v29;
	v15 =	vadd.f32 v31, v15  }
0x1dd: {  	v32 =	vshll.u32 v18, $0x9;
	v18 =	vshll.u32 v18, $0x7;
	v17 =	vnsel vm15, $0x0, v33;
	v34 =	vld [tilespmem:s28+$0x0]  }
0x1de: {  	s24 =	sor.u32 s22, s24;
	v18 =	vand.u32 $0x380, v18;
	v36 =	vmin.u32 v17, $0x32;
	v13 =	vand.u32 $0x7000, v32;
	[tilespmem:v14+s11+$0x0] =	vst.idx.add.f32.msk $0xffff, v15  }
0x1df: {  	v17 =	vshll.u32 v36, $0x9;
	v13 =	vor.u32 v13, v18;
	v14 =	vshll.u32 v36, $0x7;
	v15 =	vld [tilespmem:s24+$0x0]  }
0x1e0: {  	v17 =	vand.u32 $0x7000, v17;
	v13 =	vor.u32 v6, v13;
	v14 =	vand.u32 $0x380, v14  }
0x1e1: {  	v38 =	vadd.s32 $0x1D, v7;
	v13 =	vor.u32 v4, v13;
	v14 =	vor.u32 v17, v14  }
0x1e2: {  	v35 =	vmul.f32 v24, v3;
	v37 =	vmul.f32 v34, v5;
	v14 =	vor.u32 v9, v14  }
0x1e3: {  	vm4 =	vgt.s32 v38, $0x0;
	v14 =	vor.u32 v10, v14  }
0x1e4: {  	v16 =	vmul.f32 v16, v8;
	v39 =	vadd.f32 v37, v35;
	v41 =	vmul.f32 v15, v12  }
0x1e5: {  	v40 =	vnsel vm4, $0x0, v38;
	v43 =	vadd.s32 $0x1B, v11;
	s24 =	sadd.s32 $0x3480, s21  }
0x1e6: {  	vm5 =	vgt.s32 v43, $0x0;
	v18 =	vmin.u32 v40, $0x32;
	s29 =	sor.u32 s20, s24;
	[tilespmem:v13+s11+$0x0] =	vst.idx.add.f32.msk $0xffff, v39;
	v16 =	vadd.f32 v41, v16  }
0x1e7: {  	v42 =	vshll.u32 v18, $0x9;
	v18 =	vshll.u32 v18, $0x7;
	v17 =	vnsel vm5, $0x0, v43;
	v44 =	vld [tilespmem:s29+$0x0]  }
0x1e8: {  	s25 =	sor.u32 s22, s25;
	v18 =	vand.u32 $0x380, v18;
	v46 =	vmin.u32 v17, $0x32;
	v13 =	vand.u32 $0x7000, v42;
	[tilespmem:v14+s11+$0x0] =	vst.idx.add.f32.msk $0xffff, v16  }
0x1e9: {  	v17 =	vshll.u32 v46, $0x9;
	v13 =	vor.u32 v13, v18;
	v14 =	vshll.u32 v46, $0x7;
	v16 =	vld [tilespmem:s25+$0x0]  }
0x1ea: {  	v17 =	vand.u32 $0x7000, v17;
	v13 =	vor.u32 v6, v13;
	v14 =	vand.u32 $0x380, v14  }
0x1eb: {  	v48 =	vadd.s32 $0x1E, v7;
	v13 =	vor.u32 v4, v13;
	v14 =	vor.u32 v17, v14  }
0x1ec: {  	v45 =	vmul.f32 v34, v3;
	v47 =	vmul.f32 v44, v5;
	v14 =	vor.u32 v9, v14  }
0x1ed: {  	vm6 =	vgt.s32 v48, $0x0;
	v14 =	vor.u32 v10, v14  }
0x1ee: {  	v15 =	vmul.f32 v15, v8;
	v49 =	vadd.f32 v47, v45;
	v51 =	vmul.f32 v16, v12  }
0x1ef: {  	v50 =	vnsel vm6, $0x0, v48;
	v53 =	vadd.s32 $0x1C, v11;
	s25 =	sadd.s32 $0x3500, s21  }
0x1f0: {  	vm7 =	vgt.s32 v53, $0x0;
	v18 =	vmin.u32 v50, $0x32;
	s30 =	sor.u32 s20, s25;
	[tilespmem:v13+s11+$0x0] =	vst.idx.add.f32.msk $0xffff, v49;
	v15 =	vadd.f32 v51, v15  }
0x1f1: {  	v52 =	vshll.u32 v18, $0x9;
	v18 =	vshll.u32 v18, $0x7;
	v17 =	vnsel vm7, $0x0, v53;
	v54 =	vld [tilespmem:s30+$0x0]  }
0x1f2: {  	s23 =	sor.u32 s22, s31;
	v18 =	vand.u32 $0x380, v18;
	v56 =	vmin.u32 v17, $0x32;
	v13 =	vand.u32 $0x7000, v52;
	[tilespmem:v14+s11+$0x0] =	vst.idx.add.f32.msk $0xffff, v15  }
0x1f3: {  	v17 =	vshll.u32 v56, $0x9;
	v13 =	vor.u32 v13, v18;
	v14 =	vshll.u32 v56, $0x7;
	v15 =	vld [tilespmem:s23+$0x0]  }
0x1f4: {  	v17 =	vand.u32 $0x7000, v17;
	v13 =	vor.u32 v6, v13;
	v14 =	vand.u32 $0x380, v14  }
0x1f5: {  	v58 =	vadd.s32 $0x1F, v7;
	v13 =	vor.u32 v4, v13;
	v14 =	vor.u32 v17, v14  }
0x1f6: {  	v55 =	vmul.f32 v44, v3;
	v57 =	vmul.f32 v54, v5;
	v14 =	vor.u32 v9, v14  }
0x1f7: {  	vm8 =	vgt.s32 v58, $0x0;
	v14 =	vor.u32 v10, v14  }
0x1f8: {  	v16 =	vmul.f32 v16, v8;
	v59 =	vadd.f32 v57, v55;
	v61 =	vmul.f32 v15, v12  }
0x1f9: {  	v60 =	vnsel vm8, $0x0, v58;
	v63 =	vadd.s32 $0x1D, v11;
	s31 =	sadd.s32 $0x3580, s21  }
0x1fa: {  	vm9 =	vgt.s32 v63, $0x0;
	s28 =	sor.u32 s20, s31;
	v18 =	vmin.u32 v60, $0x32;
	[tilespmem:v13+s11+$0x0] =	vst.idx.add.f32.msk $0xffff, v59;
	v16 =	vadd.f32 v61, v16  }
0x1fb: {  	v62 =	vshll.u32 v18, $0x9;
	v18 =	vshll.u32 v18, $0x7;
	v17 =	vnsel vm9, $0x0, v63;
	v24 =	vld [tilespmem:s28+$0x0]  }
0x1fc: {  	s24 =	sor.u32 s22, s24;
	v18 =	vand.u32 $0x380, v18;
	v26 =	vmin.u32 v17, $0x32;
	v13 =	vand.u32 $0x7000, v62;
	[tilespmem:v14+s11+$0x0] =	vst.idx.add.f32.msk $0xffff, v16  }
0x1fd: {  	v17 =	vshll.u32 v26, $0x9;
	v13 =	vor.u32 v13, v18;
	v14 =	vshll.u32 v26, $0x7;
	v16 =	vld [tilespmem:s24+$0x0]  }
0x1fe: {  	v17 =	vand.u32 $0x7000, v17;
	v13 =	vor.u32 v6, v13;
	v14 =	vand.u32 $0x380, v14  }
0x1ff: {  	v28 =	vadd.s32 $0x20, v7;
	v13 =	vor.u32 v4, v13;
	v14 =	vor.u32 v17, v14  }
0x200: {  	v25 =	vmul.f32 v54, v3;
	v27 =	vmul.f32 v24, v5;
	v14 =	vor.u32 v9, v14  }
0x201: {  	vm10 =	vgt.s32 v28, $0x0;
	v14 =	vor.u32 v10, v14  }
0x202: {  	v15 =	vmul.f32 v15, v8;
	v29 =	vadd.f32 v27, v25;
	v31 =	vmul.f32 v16, v12  }
0x203: {  	v30 =	vnsel vm10, $0x0, v28;
	v33 =	vadd.s32 $0x1E, v11;
	s24 =	sor.u32 $0x4200, s21  }
0x204: {  	vm11 =	vgt.s32 v33, $0x0;
	v18 =	vmin.u32 v30, $0x32;
	s29 =	sor.u32 s20, s24;
	[tilespmem:v13+s11+$0x0] =	vst.idx.add.f32.msk $0xffff, v29;
	v15 =	vadd.f32 v31, v15  }
0x205: {  	v32 =	vshll.u32 v18, $0x9;
	v18 =	vshll.u32 v18, $0x7;
	v17 =	vnsel vm11, $0x0, v33;
	v34 =	vld [tilespmem:s29+$0x0]  }
0x206: {  	s25 =	sor.u32 s22, s25;
	v18 =	vand.u32 $0x380, v18;
	v36 =	vmin.u32 v17, $0x32;
	v13 =	vand.u32 $0x7000, v32;
	[tilespmem:v14+s11+$0x0] =	vst.idx.add.f32.msk $0xffff, v15  }
0x207: {  	v17 =	vshll.u32 v36, $0x9;
	v13 =	vor.u32 v13, v18;
	v14 =	vshll.u32 v36, $0x7;
	v15 =	vld [tilespmem:s25+$0x0]  }
0x208: {  	v17 =	vand.u32 $0x7000, v17;
	v13 =	vor.u32 v6, v13;
	v14 =	vand.u32 $0x380, v14  }
0x209: {  	v38 =	vadd.s32 $0x21, v7;
	v13 =	vor.u32 v4, v13;
	v14 =	vor.u32 v17, v14  }
0x20a: {  	v35 =	vmul.f32 v24, v3;
	v37 =	vmul.f32 v34, v5;
	v14 =	vor.u32 v9, v14  }
0x20b: {  	vm12 =	vgt.s32 v38, $0x0;
	v14 =	vor.u32 v10, v14  }
0x20c: {  	v16 =	vmul.f32 v16, v8;
	v39 =	vadd.f32 v37, v35;
	v41 =	vmul.f32 v15, v12  }
0x20d: {  	v40 =	vnsel vm12, $0x0, v38;
	v43 =	vadd.s32 $0x1F, v11;
	s25 =	sor.u32 $0x4280, s21  }
0x20e: {  	vm13 =	vgt.s32 v43, $0x0;
	v18 =	vmin.u32 v40, $0x32;
	s30 =	sor.u32 s20, s25;
	[tilespmem:v13+s11+$0x0] =	vst.idx.add.f32.msk $0xffff, v39;
	v16 =	vadd.f32 v41, v16  }
0x20f: {  	v42 =	vshll.u32 v18, $0x9;
	v18 =	vshll.u32 v18, $0x7;
	v17 =	vnsel vm13, $0x0, v43;
	v44 =	vld [tilespmem:s30+$0x0]  }
0x210: {  	s23 =	sor.u32 s22, s31;
	v18 =	vand.u32 $0x380, v18;
	v46 =	vmin.u32 v17, $0x32;
	v13 =	vand.u32 $0x7000, v42;
	[tilespmem:v14+s11+$0x0] =	vst.idx.add.f32.msk $0xffff, v16  }
0x211: {  	v17 =	vshll.u32 v46, $0x9;
	v13 =	vor.u32 v13, v18;
	v14 =	vshll.u32 v46, $0x7;
	v16 =	vld [tilespmem:s23+$0x0]  }
0x212: {  	v17 =	vand.u32 $0x7000, v17;
	v13 =	vor.u32 v6, v13;
	v14 =	vand.u32 $0x380, v14  }
0x213: {  	v48 =	vadd.s32 $0x22, v7;
	v13 =	vor.u32 v4, v13;
	v14 =	vor.u32 v17, v14  }
0x214: {  	v45 =	vmul.f32 v34, v3;
	v47 =	vmul.f32 v44, v5;
	v14 =	vor.u32 v9, v14  }
0x215: {  	vm14 =	vgt.s32 v48, $0x0;
	v14 =	vor.u32 v10, v14  }
0x216: {  	v15 =	vmul.f32 v15, v8;
	v49 =	vadd.f32 v47, v45;
	v51 =	vmul.f32 v16, v12  }
0x217: {  	v50 =	vnsel vm14, $0x0, v48;
	v53 =	vadd.s32 $0x20, v11;
	s31 =	sor.u32 $0x4300, s21  }
0x218: {  	vm15 =	vgt.s32 v53, $0x0;
	s28 =	sor.u32 s20, s31;
	v18 =	vmin.u32 v50, $0x32;
	[tilespmem:v13+s11+$0x0] =	vst.idx.add.f32.msk $0xffff, v49;
	v15 =	vadd.f32 v51, v15  }
0x219: {  	v52 =	vshll.u32 v18, $0x9;
	v18 =	vshll.u32 v18, $0x7;
	v17 =	vnsel vm15, $0x0, v53;
	v54 =	vld [tilespmem:s28+$0x0]  }
0x21a: {  	s24 =	sor.u32 s22, s24;
	v18 =	vand.u32 $0x380, v18;
	v56 =	vmin.u32 v17, $0x32;
	v13 =	vand.u32 $0x7000, v52;
	[tilespmem:v14+s11+$0x0] =	vst.idx.add.f32.msk $0xffff, v15  }
0x21b: {  	v17 =	vshll.u32 v56, $0x9;
	v13 =	vor.u32 v13, v18;
	v14 =	vshll.u32 v56, $0x7;
	v15 =	vld [tilespmem:s24+$0x0]  }
0x21c: {  	v17 =	vand.u32 $0x7000, v17;
	v13 =	vor.u32 v6, v13;
	v14 =	vand.u32 $0x380, v14  }
0x21d: {  	v58 =	vadd.s32 $0x23, v7;
	v13 =	vor.u32 v4, v13;
	v14 =	vor.u32 v17, v14  }
0x21e: {  	v55 =	vmul.f32 v44, v3;
	v57 =	vmul.f32 v54, v5;
	v14 =	vor.u32 v9, v14  }
0x21f: {  	vm4 =	vgt.s32 v58, $0x0;
	v14 =	vor.u32 v10, v14  }
0x220: {  	v16 =	vmul.f32 v16, v8;
	v59 =	vadd.f32 v57, v55;
	v61 =	vmul.f32 v15, v12  }
0x221: {  	v60 =	vnsel vm4, $0x0, v58;
	v63 =	vadd.s32 $0x21, v11;
	s24 =	sor.u32 $0x4380, s21  }
0x222: {  	vm5 =	vgt.s32 v63, $0x0;
	v18 =	vmin.u32 v60, $0x32;
	s29 =	sor.u32 s20, s24;
	[tilespmem:v13+s11+$0x0] =	vst.idx.add.f32.msk $0xffff, v59;
	v16 =	vadd.f32 v61, v16  }
0x223: {  	v62 =	vshll.u32 v18, $0x9;
	v18 =	vshll.u32 v18, $0x7;
	v17 =	vnsel vm5, $0x0, v63;
	v24 =	vld [tilespmem:s29+$0x0]  }
0x224: {  	s25 =	sor.u32 s22, s25;
	v18 =	vand.u32 $0x380, v18;
	v26 =	vmin.u32 v17, $0x32;
	v13 =	vand.u32 $0x7000, v62;
	[tilespmem:v14+s11+$0x0] =	vst.idx.add.f32.msk $0xffff, v16  }
0x225: {  	v17 =	vshll.u32 v26, $0x9;
	v13 =	vor.u32 v13, v18;
	v14 =	vshll.u32 v26, $0x7;
	v16 =	vld [tilespmem:s25+$0x0]  }
0x226: {  	v17 =	vand.u32 $0x7000, v17;
	v13 =	vor.u32 v6, v13;
	v14 =	vand.u32 $0x380, v14  }
0x227: {  	v28 =	vadd.s32 $0x24, v7;
	v13 =	vor.u32 v4, v13;
	v14 =	vor.u32 v17, v14  }
0x228: {  	v25 =	vmul.f32 v54, v3;
	v27 =	vmul.f32 v24, v5;
	v14 =	vor.u32 v9, v14  }
0x229: {  	vm6 =	vgt.s32 v28, $0x0;
	v14 =	vor.u32 v10, v14  }
0x22a: {  	v15 =	vmul.f32 v15, v8;
	v29 =	vadd.f32 v27, v25;
	v31 =	vmul.f32 v16, v12  }
0x22b: {  	v30 =	vnsel vm6, $0x0, v28;
	v33 =	vadd.s32 $0x22, v11;
	s25 =	sadd.s32 $0x4400, s21  }
0x22c: {  	vm7 =	vgt.s32 v33, $0x0;
	v18 =	vmin.u32 v30, $0x32;
	s30 =	sor.u32 s20, s25;
	[tilespmem:v13+s11+$0x0] =	vst.idx.add.f32.msk $0xffff, v29;
	v15 =	vadd.f32 v31, v15  }
0x22d: {  	v32 =	vshll.u32 v18, $0x9;
	v18 =	vshll.u32 v18, $0x7;
	v17 =	vnsel vm7, $0x0, v33;
	v34 =	vld [tilespmem:s30+$0x0]  }
0x22e: {  	s23 =	sor.u32 s22, s31;
	v18 =	vand.u32 $0x380, v18;
	v36 =	vmin.u32 v17, $0x32;
	v13 =	vand.u32 $0x7000, v32;
	[tilespmem:v14+s11+$0x0] =	vst.idx.add.f32.msk $0xffff, v15  }
0x22f: {  	v17 =	vshll.u32 v36, $0x9;
	v13 =	vor.u32 v13, v18;
	v14 =	vshll.u32 v36, $0x7;
	v15 =	vld [tilespmem:s23+$0x0]  }
0x230: {  	v17 =	vand.u32 $0x7000, v17;
	v13 =	vor.u32 v6, v13;
	v14 =	vand.u32 $0x380, v14  }
0x231: {  	v38 =	vadd.s32 $0x25, v7;
	v13 =	vor.u32 v4, v13;
	v14 =	vor.u32 v17, v14  }
0x232: {  	v35 =	vmul.f32 v24, v3;
	v37 =	vmul.f32 v34, v5;
	v14 =	vor.u32 v9, v14  }
0x233: {  	vm8 =	vgt.s32 v38, $0x0;
	v14 =	vor.u32 v10, v14  }
0x234: {  	v16 =	vmul.f32 v16, v8;
	v39 =	vadd.f32 v37, v35;
	v41 =	vmul.f32 v15, v12  }
0x235: {  	v40 =	vnsel vm8, $0x0, v38;
	v43 =	vadd.s32 $0x23, v11;
	s31 =	sadd.s32 $0x4480, s21  }
0x236: {  	vm9 =	vgt.s32 v43, $0x0;
	s28 =	sor.u32 s20, s31;
	v18 =	vmin.u32 v40, $0x32;
	[tilespmem:v13+s11+$0x0] =	vst.idx.add.f32.msk $0xffff, v39;
	v16 =	vadd.f32 v41, v16  }
0x237: {  	v42 =	vshll.u32 v18, $0x9;
	v18 =	vshll.u32 v18, $0x7;
	v17 =	vnsel vm9, $0x0, v43;
	v44 =	vld [tilespmem:s28+$0x0]  }
0x238: {  	s24 =	sor.u32 s22, s24;
	v18 =	vand.u32 $0x380, v18;
	v46 =	vmin.u32 v17, $0x32;
	v13 =	vand.u32 $0x7000, v42;
	[tilespmem:v14+s11+$0x0] =	vst.idx.add.f32.msk $0xffff, v16  }
0x239: {  	v17 =	vshll.u32 v46, $0x9;
	v13 =	vor.u32 v13, v18;
	v14 =	vshll.u32 v46, $0x7;
	v16 =	vld [tilespmem:s24+$0x0]  }
0x23a: {  	v17 =	vand.u32 $0x7000, v17;
	v13 =	vor.u32 v6, v13;
	v14 =	vand.u32 $0x380, v14  }
0x23b: {  	v48 =	vadd.s32 $0x26, v7;
	v13 =	vor.u32 v4, v13;
	v14 =	vor.u32 v17, v14  }
0x23c: {  	v45 =	vmul.f32 v34, v3;
	v47 =	vmul.f32 v44, v5;
	v14 =	vor.u32 v9, v14  }
0x23d: {  	vm10 =	vgt.s32 v48, $0x0;
	v14 =	vor.u32 v10, v14  }
0x23e: {  	v15 =	vmul.f32 v15, v8;
	v49 =	vadd.f32 v47, v45;
	v51 =	vmul.f32 v16, v12  }
0x23f: {  	v50 =	vnsel vm10, $0x0, v48;
	v53 =	vadd.s32 $0x24, v11;
	s24 =	sadd.s32 $0x4500, s21  }
0x240: {  	vm11 =	vgt.s32 v53, $0x0;
	v18 =	vmin.u32 v50, $0x32;
	s29 =	sor.u32 s20, s24;
	[tilespmem:v13+s11+$0x0] =	vst.idx.add.f32.msk $0xffff, v49;
	v15 =	vadd.f32 v51, v15  }
0x241: {  	v52 =	vshll.u32 v18, $0x9;
	v18 =	vshll.u32 v18, $0x7;
	v17 =	vnsel vm11, $0x0, v53;
	v54 =	vld [tilespmem:s29+$0x0]  }
0x242: {  	s25 =	sor.u32 s22, s25;
	v18 =	vand.u32 $0x380, v18;
	v56 =	vmin.u32 v17, $0x32;
	v13 =	vand.u32 $0x7000, v52;
	[tilespmem:v14+s11+$0x0] =	vst.idx.add.f32.msk $0xffff, v15  }
0x243: {  	v17 =	vshll.u32 v56, $0x9;
	v13 =	vor.u32 v13, v18;
	v14 =	vshll.u32 v56, $0x7;
	v15 =	vld [tilespmem:s25+$0x0]  }
0x244: {  	v17 =	vand.u32 $0x7000, v17;
	v13 =	vor.u32 v6, v13;
	v14 =	vand.u32 $0x380, v14  }
0x245: {  	v58 =	vadd.s32 $0x27, v7;
	v13 =	vor.u32 v4, v13;
	v14 =	vor.u32 v17, v14  }
0x246: {  	v55 =	vmul.f32 v44, v3;
	v57 =	vmul.f32 v54, v5;
	v14 =	vor.u32 v9, v14  }
0x247: {  	vm12 =	vgt.s32 v58, $0x0;
	v14 =	vor.u32 v10, v14  }
0x248: {  	v16 =	vmul.f32 v16, v8;
	v59 =	vadd.f32 v57, v55;
	v61 =	vmul.f32 v15, v12  }
0x249: {  	v60 =	vnsel vm12, $0x0, v58;
	v63 =	vadd.s32 $0x25, v11;
	s25 =	sadd.s32 $0x4580, s21  }
0x24a: {  	vm13 =	vgt.s32 v63, $0x0;
	v18 =	vmin.u32 v60, $0x32;
	s30 =	sor.u32 s20, s25;
	[tilespmem:v13+s11+$0x0] =	vst.idx.add.f32.msk $0xffff, v59;
	v16 =	vadd.f32 v61, v16  }
0x24b: {  	v62 =	vshll.u32 v18, $0x9;
	v18 =	vshll.u32 v18, $0x7;
	v17 =	vnsel vm13, $0x0, v63;
	v24 =	vld [tilespmem:s30+$0x0]  }
0x24c: {  	s23 =	sor.u32 s22, s31;
	v18 =	vand.u32 $0x380, v18;
	v26 =	vmin.u32 v17, $0x32;
	v13 =	vand.u32 $0x7000, v62;
	[tilespmem:v14+s11+$0x0] =	vst.idx.add.f32.msk $0xffff, v16  }
0x24d: {  	v17 =	vshll.u32 v26, $0x9;
	v13 =	vor.u32 v13, v18;
	v14 =	vshll.u32 v26, $0x7;
	v16 =	vld [tilespmem:s23+$0x0]  }
0x24e: {  	v17 =	vand.u32 $0x7000, v17;
	v13 =	vor.u32 v6, v13;
	v14 =	vand.u32 $0x380, v14  }
0x24f: {  	v28 =	vadd.s32 $0x28, v7;
	v13 =	vor.u32 v4, v13;
	v14 =	vor.u32 v17, v14  }
0x250: {  	v25 =	vmul.f32 v54, v3;
	v27 =	vmul.f32 v24, v5;
	v14 =	vor.u32 v9, v14  }
0x251: {  	vm14 =	vgt.s32 v28, $0x0;
	v14 =	vor.u32 v10, v14  }
0x252: {  	v15 =	vmul.f32 v15, v8;
	v29 =	vadd.f32 v27, v25;
	v31 =	vmul.f32 v16, v12  }
0x253: {  	v30 =	vnsel vm14, $0x0, v28;
	v33 =	vadd.s32 $0x26, v11;
	s31 =	sor.u32 $0x5200, s21  }
0x254: {  	vm15 =	vgt.s32 v33, $0x0;
	s28 =	sor.u32 s20, s31;
	v18 =	vmin.u32 v30, $0x32;
	[tilespmem:v13+s11+$0x0] =	vst.idx.add.f32.msk $0xffff, v29;
	v15 =	vadd.f32 v31, v15  }
0x255: {  	v32 =	vshll.u32 v18, $0x9;
	v18 =	vshll.u32 v18, $0x7;
	v17 =	vnsel vm15, $0x0, v33;
	v34 =	vld [tilespmem:s28+$0x0]  }
0x256: {  	s24 =	sor.u32 s22, s24;
	v18 =	vand.u32 $0x380, v18;
	v36 =	vmin.u32 v17, $0x32;
	v13 =	vand.u32 $0x7000, v32;
	[tilespmem:v14+s11+$0x0] =	vst.idx.add.f32.msk $0xffff, v15  }
0x257: {  	v17 =	vshll.u32 v36, $0x9;
	v13 =	vor.u32 v13, v18;
	v14 =	vshll.u32 v36, $0x7;
	v15 =	vld [tilespmem:s24+$0x0]  }
0x258: {  	v17 =	vand.u32 $0x7000, v17;
	v13 =	vor.u32 v6, v13;
	v14 =	vand.u32 $0x380, v14  }
0x259: {  	v38 =	vadd.s32 $0x29, v7;
	v13 =	vor.u32 v4, v13;
	v14 =	vor.u32 v17, v14  }
0x25a: {  	v35 =	vmul.f32 v24, v3;
	v37 =	vmul.f32 v34, v5;
	v14 =	vor.u32 v9, v14  }
0x25b: {  	vm4 =	vgt.s32 v38, $0x0;
	v14 =	vor.u32 v10, v14  }
0x25c: {  	v16 =	vmul.f32 v16, v8;
	v39 =	vadd.f32 v37, v35;
	v41 =	vmul.f32 v15, v12  }
0x25d: {  	v40 =	vnsel vm4, $0x0, v38;
	v43 =	vadd.s32 $0x27, v11;
	s24 =	sor.u32 $0x5280, s21  }
0x25e: {  	vm5 =	vgt.s32 v43, $0x0;
	v18 =	vmin.u32 v40, $0x32;
	s29 =	sor.u32 s20, s24;
	[tilespmem:v13+s11+$0x0] =	vst.idx.add.f32.msk $0xffff, v39;
	v16 =	vadd.f32 v41, v16  }
0x25f: {  	v42 =	vshll.u32 v18, $0x9;
	v18 =	vshll.u32 v18, $0x7;
	v17 =	vnsel vm5, $0x0, v43;
	v44 =	vld [tilespmem:s29+$0x0]  }
0x260: {  	s25 =	sor.u32 s22, s25;
	v18 =	vand.u32 $0x380, v18;
	v46 =	vmin.u32 v17, $0x32;
	v13 =	vand.u32 $0x7000, v42;
	[tilespmem:v14+s11+$0x0] =	vst.idx.add.f32.msk $0xffff, v16  }
0x261: {  	v17 =	vshll.u32 v46, $0x9;
	v13 =	vor.u32 v13, v18;
	v14 =	vshll.u32 v46, $0x7;
	v16 =	vld [tilespmem:s25+$0x0]  }
0x262: {  	v17 =	vand.u32 $0x7000, v17;
	v13 =	vor.u32 v6, v13;
	v14 =	vand.u32 $0x380, v14  }
0x263: {  	v48 =	vadd.s32 $0x2A, v7;
	v13 =	vor.u32 v4, v13;
	v14 =	vor.u32 v17, v14  }
0x264: {  	v45 =	vmul.f32 v34, v3;
	v47 =	vmul.f32 v44, v5;
	v14 =	vor.u32 v9, v14  }
0x265: {  	vm6 =	vgt.s32 v48, $0x0;
	v14 =	vor.u32 v10, v14  }
0x266: {  	v15 =	vmul.f32 v15, v8;
	v49 =	vadd.f32 v47, v45;
	v51 =	vmul.f32 v16, v12  }
0x267: {  	v50 =	vnsel vm6, $0x0, v48;
	v53 =	vadd.s32 $0x28, v11;
	s25 =	sor.u32 $0x5300, s21  }
0x268: {  	vm7 =	vgt.s32 v53, $0x0;
	v18 =	vmin.u32 v50, $0x32;
	s30 =	sor.u32 s20, s25;
	[tilespmem:v13+s11+$0x0] =	vst.idx.add.f32.msk $0xffff, v49;
	v15 =	vadd.f32 v51, v15  }
0x269: {  	v52 =	vshll.u32 v18, $0x9;
	v18 =	vshll.u32 v18, $0x7;
	v17 =	vnsel vm7, $0x0, v53;
	v54 =	vld [tilespmem:s30+$0x0]  }
0x26a: {  	s23 =	sor.u32 s22, s31;
	v18 =	vand.u32 $0x380, v18;
	v56 =	vmin.u32 v17, $0x32;
	v13 =	vand.u32 $0x7000, v52;
	[tilespmem:v14+s11+$0x0] =	vst.idx.add.f32.msk $0xffff, v15  }
0x26b: {  	v17 =	vshll.u32 v56, $0x9;
	v13 =	vor.u32 v13, v18;
	v14 =	vshll.u32 v56, $0x7;
	v15 =	vld [tilespmem:s23+$0x0]  }
0x26c: {  	v17 =	vand.u32 $0x7000, v17;
	v13 =	vor.u32 v6, v13;
	v14 =	vand.u32 $0x380, v14  }
0x26d: {  	v58 =	vadd.s32 $0x2B, v7;
	v13 =	vor.u32 v4, v13;
	v14 =	vor.u32 v17, v14  }
0x26e: {  	v55 =	vmul.f32 v44, v3;
	v57 =	vmul.f32 v54, v5;
	v14 =	vor.u32 v9, v14  }
0x26f: {  	vm8 =	vgt.s32 v58, $0x0;
	v14 =	vor.u32 v10, v14  }
0x270: {  	v16 =	vmul.f32 v16, v8;
	v59 =	vadd.f32 v57, v55;
	v61 =	vmul.f32 v15, v12  }
0x271: {  	v60 =	vnsel vm8, $0x0, v58;
	v63 =	vadd.s32 $0x29, v11;
	s31 =	sor.u32 $0x5380, s21  }
0x272: {  	vm9 =	vgt.s32 v63, $0x0;
	s28 =	sor.u32 s20, s31;
	v18 =	vmin.u32 v60, $0x32;
	[tilespmem:v13+s11+$0x0] =	vst.idx.add.f32.msk $0xffff, v59;
	v16 =	vadd.f32 v61, v16  }
0x273: {  	v62 =	vshll.u32 v18, $0x9;
	v18 =	vshll.u32 v18, $0x7;
	v17 =	vnsel vm9, $0x0, v63;
	v24 =	vld [tilespmem:s28+$0x0]  }
0x274: {  	s24 =	sor.u32 s22, s24;
	v18 =	vand.u32 $0x380, v18;
	v26 =	vmin.u32 v17, $0x32;
	v13 =	vand.u32 $0x7000, v62;
	[tilespmem:v14+s11+$0x0] =	vst.idx.add.f32.msk $0xffff, v16  }
0x275: {  	v17 =	vshll.u32 v26, $0x9;
	v13 =	vor.u32 v13, v18;
	v14 =	vshll.u32 v26, $0x7;
	v16 =	vld [tilespmem:s24+$0x0]  }
0x276: {  	v17 =	vand.u32 $0x7000, v17;
	v13 =	vor.u32 v6, v13;
	v14 =	vand.u32 $0x380, v14  }
0x277: {  	v28 =	vadd.s32 $0x2C, v7;
	v13 =	vor.u32 v4, v13;
	v14 =	vor.u32 v17, v14  }
0x278: {  	v25 =	vmul.f32 v54, v3;
	v27 =	vmul.f32 v24, v5;
	v14 =	vor.u32 v9, v14  }
0x279: {  	vm10 =	vgt.s32 v28, $0x0;
	v14 =	vor.u32 v10, v14  }
0x27a: {  	v15 =	vmul.f32 v15, v8;
	v29 =	vadd.f32 v27, v25;
	v31 =	vmul.f32 v16, v12  }
0x27b: {  	v30 =	vnsel vm10, $0x0, v28;
	v33 =	vadd.s32 $0x2A, v11;
	s24 =	sadd.s32 $0x5400, s21  }
0x27c: {  	vm11 =	vgt.s32 v33, $0x0;
	v18 =	vmin.u32 v30, $0x32;
	s29 =	sor.u32 s20, s24;
	[tilespmem:v13+s11+$0x0] =	vst.idx.add.f32.msk $0xffff, v29;
	v15 =	vadd.f32 v31, v15  }
0x27d: {  	v32 =	vshll.u32 v18, $0x9;
	v18 =	vshll.u32 v18, $0x7;
	v17 =	vnsel vm11, $0x0, v33;
	v34 =	vld [tilespmem:s29+$0x0]  }
0x27e: {  	s25 =	sor.u32 s22, s25;
	v18 =	vand.u32 $0x380, v18;
	v35 =	vmin.u32 v17, $0x32;
	v13 =	vand.u32 $0x7000, v32;
	[tilespmem:v14+s11+$0x0] =	vst.idx.add.f32.msk $0xffff, v15  }
0x27f: {  	v17 =	vshll.u32 v35, $0x9;
	v13 =	vor.u32 v13, v18;
	v14 =	vshll.u32 v35, $0x7;
	v15 =	vld [tilespmem:s25+$0x0]  }
0x280: {  	v17 =	vand.u32 $0x7000, v17;
	v13 =	vor.u32 v6, v13;
	v14 =	vand.u32 $0x380, v14  }
0x281: {  	v38 =	vadd.s32 $0x2D, v7;
	v13 =	vor.u32 v4, v13;
	v14 =	vor.u32 v17, v14  }
0x282: {  	v36 =	vmul.f32 v24, v3;
	v37 =	vmul.f32 v34, v5;
	v14 =	vor.u32 v9, v14  }
0x283: {  	vm12 =	vgt.s32 v38, $0x0;
	v14 =	vor.u32 v10, v14  }
0x284: {  	v16 =	vmul.f32 v16, v8;
	v18 =	vadd.f32 v37, v36;
	v39 =	vmul.f32 v15, v12  }
0x285: {  	v41 =	vadd.s32 $0x2B, v11;
	s25 =	sadd.s32 $0x5480, s21;
	v17 =	vnsel vm12, $0x0, v38  }
0x286: {  	vm13 =	vgt.s32 v41, $0x0;
	s30 =	sor.u32 s20, s25;
	v40 =	vmin.u32 v17, $0x32;
	[tilespmem:v13+s11+$0x0] =	vst.idx.add.f32.msk $0xffff, v18;
	v16 =	vadd.f32 v39, v16  }
0x287: {  	v17 =	vnsel vm13, $0x0, v41;
	v43 =	vshll.u32 v40, $0x9;
	v13 =	vshll.u32 v40, $0x7;
	v18 =	vld [tilespmem:s30+$0x0]  }
0x288: {  	s23 =	sor.u32 s22, s31;
	v44 =	vmin.u32 v17, $0x32;
	v19 =	vand.u32 $0x7000, v43;
	v13 =	vand.u32 $0x380, v13;
	[tilespmem:v14+s11+$0x0] =	vst.idx.add.f32.msk $0xffff, v16  }
0x289: {  	v17 =	vshll.u32 v44, $0x9;
	v13 =	vor.u32 v19, v13;
	v14 =	vshll.u32 v44, $0x7;
	v16 =	vld [tilespmem:s23+$0x0]  }
0x28a: {  	v17 =	vand.u32 $0x7000, v17;
	v13 =	vor.u32 v6, v13;
	v14 =	vand.u32 $0x380, v14  }
0x28b: {  	v13 =	vor.u32 v4, v13;
	v14 =	vor.u32 v17, v14  }
0x28c: {  	v42 =	vmul.f32 v34, v3;
	v45 =	vmul.f32 v18, v5;
	v14 =	vor.u32 v9, v14  }
0x28d: {  	v47 =	vadd.s32 $0x2E, v7;
	v49 =	vadd.s32 $0x2C, v11;
	v14 =	vor.u32 v10, v14  }
0x28e: {  	v15 =	vmul.f32 v15, v8;
	v46 =	vadd.f32 v45, v42;
	v48 =	vmul.f32 v16, v12  }
0x28f: {  	vm14 =	vgt.s32 v47, $0x0;
	vm15 =	vgt.s32 v49, $0x0;
	s31 =	sadd.s32 $0x5500, s21  }
0x290: {  	v51 =	vnsel vm15, $0x0, v49;
	s28 =	sor.u32 s20, s31;
	v19 =	vnsel vm14, $0x0, v47;
	[tilespmem:v13+s11+$0x0] =	vst.idx.add.f32.msk $0xffff, v46;
	v15 =	vadd.f32 v48, v15  }
0x291: {  	v52 =	vmin.u32 v51, $0x32;
	v50 =	vmin.u32 v19, $0x32;
	v17 =	vld [tilespmem:s28+$0x0]  }
0x292: {  	v20 =	vshll.u32 v52, $0x9;
	s24 =	sor.u32 s22, s24;
	v19 =	vshll.u32 v50, $0x9;
	v13 =	vshll.u32 v50, $0x7;
	[tilespmem:v14+s11+$0x0] =	vst.idx.add.f32.msk $0xffff, v15  }
0x293: {  	v19 =	vand.u32 $0x7000, v19;
	v13 =	vand.u32 $0x380, v13;
	v14 =	vshll.u32 v52, $0x7;
	v15 =	vld [tilespmem:s24+$0x0]  }
0x294: {  	v53 =	vand.u32 $0x7000, v20;
	v13 =	vor.u32 v19, v13;
	v14 =	vand.u32 $0x380, v14  }
0x295: {  	v13 =	vor.u32 v6, v13;
	v14 =	vor.u32 v53, v14  }
0x296: {  	v13 =	vor.u32 v4, v13;
	v14 =	vor.u32 v9, v14  }
0x297: {  	v18 =	vmul.f32 v18, v3;
	v54 =	vmul.f32 v17, v5;
	v14 =	vor.u32 v10, v14  }
0x298: {  	v16 =	vmul.f32 v16, v8;
	v55 =	vmul.f32 v15, v12  }
0x299: {  	v56 =	vadd.s32 $0x2D, v11;
	v18 =	vadd.f32 v54, v18  }
0x29a: {  	vm4 =	vgt.s32 v56, $0x0;
	v16 =	vadd.f32 v55, v16  }
0x29b: {  	v57 =	vnsel vm4, $0x0, v56;
	[tilespmem:v13+s11+$0x0] =	vst.idx.add.f32.msk $0xffff, v18  }
0x29c: {  	s25 =	sor.u32 s22, s25;
	v13 =	vmin.u32 v57, $0x32;
	[tilespmem:v14+s11+$0x0] =	vst.idx.add.f32.msk $0xffff, v16  }
0x29d: {  	v59 =	vshll.u32 v13, $0x9;
	v13 =	vshll.u32 v13, $0x7;
	v14 =	vld [tilespmem:s25+$0x0]  }
0x29e: {  	v13 =	vand.u32 $0x380, v13;
	v16 =	vand.u32 $0x7000, v59  }
0x29f: {  	v58 =	vadd.s32 $0x2F, v7;
	v13 =	vor.u32 v16, v13  }
0x2a0: {  	vm5 =	vgt.s32 v58, $0x0;
	v25 =	vadd.s32 $0x2E, v11;
	v13 =	vor.u32 v9, v13  }
0x2a1: {  	vm6 =	vgt.s32 v25, $0x0;
	v18 =	vnsel vm5, $0x0, v58;
	v13 =	vor.u32 v10, v13  }
0x2a2: {  	v18 =	vmin.u32 v18, $0x32;
	v15 =	vmul.f32 v15, v8;
	v63 =	vmul.f32 v14, v12  }
0x2a3: {  	s29 =	sadd.s32 $0x5580, s21;
	v61 =	vmul.f32 v17, v3;
	v62 =	vshll.u32 v18, $0x9;
	v18 =	vshll.u32 v18, $0x7  }
0x2a4: {  	s30 =	sor.u32 s20, s29;
	v17 =	vand.u32 $0x7000, v62;
	v18 =	vand.u32 $0x380, v18;
	v15 =	vadd.f32 v63, v15  }
0x2a5: {  	v60 =	vld [tilespmem:s30+$0x0];
	v17 =	vor.u32 v17, v18;
	v18 =	vnsel vm6, $0x0, v25  }
0x2a6: {  	s23 =	sor.u32 s22, s31;
	v27 =	vmin.u32 v18, $0x32;
	[tilespmem:v13+s11+$0x0] =	vst.idx.add.f32.msk $0xffff, v15  }
0x2a7: {  	v26 =	vadd.s32 $0x30, v7;
	v18 =	vshll.u32 v27, $0x9;
	v13 =	vshll.u32 v27, $0x7;
	v15 =	vld [tilespmem:s23+$0x0]  }
0x2a8: {  	v17 =	vor.u32 v6, v17;
	v18 =	vand.u32 $0x7000, v18;
	v13 =	vand.u32 $0x380, v13  }
0x2a9: {  	vm7 =	vgt.s32 v26, $0x0;
	v17 =	vor.u32 v4, v17;
	v13 =	vor.u32 v18, v13  }
0x2aa: {  	v20 =	vnsel vm7, $0x0, v26;
	v24 =	vmul.f32 v60, v5;
	v13 =	vor.u32 v9, v13  }
0x2ab: {  	v20 =	vmin.u32 v20, $0x32;
	v31 =	vadd.s32 $0x2F, v11;
	v13 =	vor.u32 v10, v13  }
0x2ac: {  	v16 =	vadd.f32 v24, v61;
	v14 =	vmul.f32 v14, v8;
	v30 =	vmul.f32 v15, v12  }
0x2ad: {  	v28 =	vshll.u32 v20, $0x9;
	v29 =	vshll.u32 v20, $0x7;
	vm8 =	vgt.s32 v31, $0x0  }
0x2ae: {  	[tilespmem:v17+s11+$0x0] =	vst.idx.add.f32.msk $0xffff, v16;
	v16 =	vand.u32 $0x7000, v28;
	v18 =	vand.u32 $0x380, v29;
	v14 =	vadd.f32 v30, v14  }
0x2af: {  	v16 =	vor.u32 v16, v18;
	v18 =	vnsel vm8, $0x0, v31  }
0x2b0: {  	s24 =	sor.u32 s22, s29;
	v33 =	vmin.u32 v18, $0x32;
	[tilespmem:v13+s11+$0x0] =	vst.idx.add.f32.msk $0xffff, v14  }
0x2b1: {  	v18 =	vshll.u32 v33, $0x9;
	v13 =	vshll.u32 v33, $0x7;
	v14 =	vld [tilespmem:s24+$0x0]  }
0x2b2: {  	v36 =	vadd.s32 $0x30, v11;
	s31 =	sor.u32 $0x6200, s21;
	v18 =	vand.u32 $0x7000, v18;
	v13 =	vand.u32 $0x380, v13  }
0x2b3: {  	vm10 =	vgt.s32 v36, $0x0;
	s26 =	sor.u32 s20, s31;
	v13 =	vor.u32 v18, v13  }
0x2b4: {  	v34 =	vadd.s32 $0x31, v7;
	v37 =	vnsel vm10, $0x0, v36;
	v17 =	vld [tilespmem:s26+$0x0];
	v13 =	vor.u32 v9, v13  }
0x2b5: {  	vm9 =	vgt.s32 v34, $0x0;
	v39 =	vmin.u32 v37, $0x32;
	v13 =	vor.u32 v10, v13  }
0x2b6: {  	v41 =	vshll.u32 v39, $0x9;
	v15 =	vmul.f32 v15, v8;
	v35 =	vmul.f32 v14, v12  }
0x2b7: {  	v21 =	vand.u32 $0x7000, v41;
	v42 =	vadd.s32 $0x32, v7;
	v16 =	vor.u32 v6, v16  }
0x2b8: {  	v45 =	vadd.s32 $0x31, v11;
	v16 =	vor.u32 v4, v16;
	v15 =	vadd.f32 v35, v15  }
0x2b9: {  	v7 =	vadd.s32 $0x33, v7;
	v19 =	vmul.f32 v60, v3;
	v32 =	vmul.f32 v17, v5  }
0x2ba: {  	vm11 =	vgt.s32 v42, $0x0;
	vm12 =	vgt.s32 v45, $0x0;
	vm13 =	vgt.s32 v7, $0x0;
	s23 =	sor.u32 s22, s31;
	[tilespmem:v13+s11+$0x0] =	vst.idx.add.f32.msk $0xffff, v15  }
0x2bb: {  	v47 =	vnsel vm12, $0x0, v45;
	v19 =	vadd.f32 v32, v19;
	v13 =	vshll.u32 v39, $0x7;
	v15 =	vld [tilespmem:s23+$0x0]  }
0x2bc: {  	v7 =	vnsel vm13, $0x0, v7;
	s28 =	sor.u32 $0x6280, s21;
	v18 =	vnsel vm9, $0x0, v34;
	v13 =	vand.u32 $0x380, v13  }
0x2bd: {  	v7 =	vmin.u32 v7, $0x32;
	s29 =	sor.u32 s20, s28;
	[tilespmem:v16+s11+$0x0] =	vst.idx.add.f32.msk $0xffff, v19;
	v18 =	vmin.u32 v18, $0x32;
	v13 =	vor.u32 v21, v13  }
0x2be: {  	v50 =	vshll.u32 v7, $0x9;
	v16 =	vld [tilespmem:s29+$0x0];
	v40 =	vshll.u32 v18, $0x9;
	v13 =	vor.u32 v9, v13  }
0x2bf: {  	v18 =	vshll.u32 v18, $0x7;
	v19 =	vand.u32 $0x7000, v40;
	v13 =	vor.u32 v10, v13  }
0x2c0: {  	v18 =	vand.u32 $0x380, v18;
	v14 =	vmul.f32 v14, v8;
	v43 =	vmul.f32 v15, v12  }
0x2c1: {  	v17 =	vmul.f32 v17, v3;
	v18 =	vor.u32 v19, v18;
	v19 =	vnsel vm11, $0x0, v42  }
0x2c2: {  	v18 =	vor.u32 v6, v18;
	v19 =	vmin.u32 v19, $0x32;
	v14 =	vadd.f32 v43, v14  }
0x2c3: {  	v38 =	vmul.f32 v16, v5;
	v18 =	vor.u32 v4, v18;
	v44 =	vshll.u32 v19, $0x9  }
0x2c4: {  	s30 =	sor.u32 s22, s28;
	v19 =	vshll.u32 v19, $0x7;
	v20 =	vand.u32 $0x7000, v44;
	[tilespmem:v13+s11+$0x0] =	vst.idx.add.f32.msk $0xffff, v14;
	v14 =	vmin.u32 v47, $0x32  }
0x2c5: {  	v46 =	vand.u32 $0x380, v19;
	v48 =	vld [tilespmem:s30+$0x0];
	v49 =	vshll.u32 v14, $0x9;
	v14 =	vshll.u32 v14, $0x7  }
0x2c6: {  	v13 =	vor.u32 v20, v46;
	v20 =	vand.u32 $0x7000, v49;
	v14 =	vand.u32 $0x380, v14  }
0x2c7: {  	v7 =	vshll.u32 v7, $0x7;
	v17 =	vadd.f32 v38, v17;
	v14 =	vor.u32 v20, v14  }
0x2c8: {  	s21 =	sor.u32 $0x6300, s21;
	v52 =	vadd.s32 $0x32, v11;
	v11 =	vadd.s32 $0x33, v11;
	v14 =	vor.u32 v9, v14  }
0x2c9: {  	s20 =	sor.u32 s20, s21;
	vm14 =	vgt.s32 v52, $0x0;
	vm15 =	vgt.s32 v11, $0x0;
	[tilespmem:v18+s11+$0x0] =	vst.idx.add.f32.msk $0xffff, v17;
	v14 =	vor.u32 v10, v14  }
0x2ca: {  	v11 =	vnsel vm15, $0x0, v11;
	v18 =	vld [tilespmem:s20+$0x0];
	v15 =	vmul.f32 v15, v8;
	v51 =	vmul.f32 v48, v12  }
0x2cb: {  	v7 =	vand.u32 $0x380, v7;
	v11 =	vmin.u32 v11, $0x32;
	v55 =	vnsel vm14, $0x0, v52  }
0x2cc: {  	v59 =	vshll.u32 v11, $0x9;
	v11 =	vshll.u32 v11, $0x7;
	v53 =	vadd.f32 v51, v15  }
0x2cd: {  	v11 =	vand.u32 $0x380, v11;
	v54 =	vmul.f32 v16, v3;
	v16 =	vmin.u32 v55, $0x32  }
0x2ce: {  	s31 =	sor.u32 s22, s21;
	v56 =	vshll.u32 v16, $0x9;
	v57 =	vshll.u32 v16, $0x7;
	v17 =	vand.u32 $0x7000, v50;
	[tilespmem:v14+s11+$0x0] =	vst.idx.add.f32.msk $0xffff, v53  }
0x2cf: {  	v7 =	vor.u32 v17, v7;
	v5 =	vmul.f32 v18, v5;
	v13 =	vor.u32 v6, v13;
	v58 =	vld [tilespmem:s31+$0x0]  }
0x2d0: {  	v6 =	vor.u32 v6, v7;
	v7 =	vand.u32 $0x7000, v56;
	v14 =	vand.u32 $0x380, v57  }
0x2d1: {  	v13 =	vor.u32 v4, v13;
	v7 =	vor.u32 v7, v14;
	v14 =	vand.u32 $0x7000, v59  }
0x2d2: {  	v4 =	vor.u32 v4, v6;
	v60 =	vor.u32 v14, v11;
	v7 =	vor.u32 v9, v7  }
0x2d3: {  	s14 =	sadd.s32 $0x2, s14;
	v5 =	vadd.f32 v5, v54;
	v6 =	vor.u32 v9, v60;
	v7 =	vor.u32 v10, v7  }
0x2d4: {  	p0 =	slt.u32 s14, $0x1E;
	v61 =	vmul.f32 v48, v8;
	v6 =	vor.u32 v10, v6;
	v62 =	vmul.f32 v58, v12  }
.Ltmp1:
0x2d5: {  	v3 =	vmul.f32 v18, v3;
	(pc) =	sbr.rel @p0 .LBB2_4-.Ltmp1, $4  }
0x2d6: {  	[tilespmem:v13+s11+$0x0] =	vst.idx.add.f32.msk $0xffff, v5;
	v63 =	vadd.f32 v62, v61  }
0x2d7: {  	[tilespmem:v4+s11+$0x0] =	vst.idx.add.f32.msk $0xffff, v3;
	v3 =	vmul.f32 v58, v8  }
0x2d8: {  	s18 =	sadd.s32 $0x2, s18;
	s17 =	sadd.s32 $0x1, s17;
	[tilespmem:v7+s11+$0x0] =	vst.idx.add.f32.msk $0xffff, v63  }
0x2d9: {  	s15 =	sadd.s32 $0x20, s15;
	s16 =	sadd.s32 $0x20, s16;
	s19 =	sadd.s32 $0x100, s19;
	[tilespmem:v6+s11+$0x0] =	vst.idx.add.f32.msk $0xffff, v3  }
0x2da: {  	s13 =	sadd.s32 $0x1, s13  }
0x2db: {  	p0 =	sne.s32 s13, s6  }
.Ltmp2:
0x2dc: {  	_ = 	snop;
	(pc) =	sbr.rel @p0 .LBB2_1-.Ltmp2, $4  }
0x2dd: {  	[hbm4b:s5+s7] =	stream.strided.scatter [tilespmem:s11], [sflag:$0x2], $0x7000, s8, s7, $0x38;
	[tilespmem:$0xE200] =	vst v63  }
0x2de: {  	_ =	swait.ge [sflag:s12], $0x7000  }
0x2df: {  	[sflag:s12] =	ssyncset.done $0x0  }
0x2e0: {  	[sflag:s12] =	ssyncadd.s32 $0xFFFF9000  }
0x2e1: {  	_ =	sfence.sel $0x180000  }
0x2e2: {  	[bflag:$0x0] =	sbarrier.arrive $0xFFFF  }
0x2e3: {  	p0 =	sne.s32 s1, $0x0;
	_ =	strace $0x90000047  }
0x2e4: {  	s0 =	sadd.s32 @!p0 $0x100000, s0;
	[bflag:$0x2] =	sbarrier.arrive $0xFFFF  }
0x2e5: {  	[sflag:s0] =	ssyncadd.tile.s32 @!p0 $0x1;
	_ =	shalt  }
.Lfunc_end2:
_tile_overlayer_lowered:
.L_overlay_start_2:
0x2e6: {  	(tag) =	ssettag $0x2  }
0x2e7: {  	s0 =	rddreg [dreg:$0x0];
	s2 =	stileid.u32  }
0x2e8: {  	s1 =	rddreg [dreg:$0x1];
	p0 =	sne.s32 s2, $0x0  }
0x2e9: {  	s3 =	rddreg [dreg:$0x2];
	[bflag:$0x3] =	sbarrier.arrive $0xFFFF;
	s2 =	simm.s32 @!p0 $0x1C02  }
0x2ea: {  	[timem:s3], [sflag:s2] =	dma.local @!p0 [hbm:s0], s1  }
0x2eb: {  	s0 =	simm.s32 @!p0 $0x2  }
0x2ec: {  	_ =	swait.ge @!p0 [sflag:s0], s1  }
0x2ed: {  	s1 =	ssub.s32 @!p0 $0x0, s1;
	[sflag:s0] =	ssyncset.done @!p0 $0x0  }
0x2ee: {  	[sflag:s0] =	ssyncadd.s32 @!p0 s1  }
0x2ef: {  	[bflag:$0x3] =	sbarrier.arrive $0xFFFF  }
0x2f0: {  	_ =	shalt  }

</sc_bundles>
